<compile_context>
chip_gen: v7x
topology: tpu7x:2x2x1
jax: 0.10.2.dev20260603
libtpu: 0.0.44.dev20260713+nightly
codegen_flags: <defaults>
</compile_context>

<pallas_src>
import jax
import jax.numpy as jnp
from jax import lax
from jax.experimental import pallas as pl
from jax.experimental.pallas import tpu as pltpu
from jax.experimental.pallas import tpu_sc as plsc

N_NODES = 10000
N_EDGES = 320000
N_GRAPHS = 64

_NC = 2
_NS = 16
_EDGES_PER_TILE = N_EDGES // (_NC * _NS)
_ROW_CHUNK = 1000
_NROWT = N_NODES // _ROW_CHUNK


def _segsum_sc(z, src, dst, zeros):
    n, d = z.shape
    ch = {128: 80, 64: 400, 32: 400}[d]
    nchunks = _EDGES_PER_TILE // ch
    nw = _NC * _NS
    src3 = src.reshape(nw, nchunks, ch)
    dst3 = dst.reshape(nw, nchunks, ch)

    def body(z_hbm, src_hbm, dst_hbm, zero_hbm, out_hbm,
             agg_sh, src_v, dst_v, rows0, rows1, sem0, sem1):
        c = lax.axis_index("c")
        s = lax.axis_index("s")
        r0 = s * _ROW_CHUNK
        wid = c * _NS + s

        pltpu.sync_copy(src_hbm.at[wid], src_v)
        pltpu.sync_copy(dst_hbm.at[wid], dst_v)

        @pl.when(s < _NROWT)
        def _():
            pltpu.sync_copy(zero_hbm.at[pl.ds(r0, _ROW_CHUNK)],
                            agg_sh.at[pl.ds(r0, _ROW_CHUNK)])
        plsc.subcore_barrier()

        pltpu.async_copy(z_hbm.at[src_v.at[0]], rows0, sem0)

        def pair(j, carry):
            i = 2 * j

            @pl.when(i + 1 < nchunks)
            def _():
                pltpu.async_copy(z_hbm.at[src_v.at[i + 1]], rows1, sem1)

            pltpu.make_async_copy(z_hbm.at[src_v.at[i]], rows0, sem0).wait()
            pltpu.sync_copy(rows0, agg_sh.at[dst_v.at[i]], add=True)

            @pl.when(i + 2 < nchunks)
            def _():
                pltpu.async_copy(z_hbm.at[src_v.at[i + 2]], rows0, sem0)

            @pl.when(i + 1 < nchunks)
            def _():
                pltpu.make_async_copy(z_hbm.at[src_v.at[i + 1]],
                                      rows1, sem1).wait()
                pltpu.sync_copy(rows1, agg_sh.at[dst_v.at[i + 1]], add=True)

            return carry

        lax.fori_loop(0, (nchunks + 1) // 2, pair, 0)

        plsc.subcore_barrier()

        @pl.when(s < _NROWT)
        def _():
            pltpu.sync_copy(agg_sh.at[pl.ds(r0, _ROW_CHUNK)],
                            out_hbm.at[c, pl.ds(r0, _ROW_CHUNK)])

    return pl.kernel(
        body,
        out_type=jax.ShapeDtypeStruct((_NC, n, d), jnp.float32),
        mesh=plsc.VectorSubcoreMesh(core_axis_name="c", subcore_axis_name="s"),
        compiler_params=pltpu.CompilerParams(use_tc_tiling_on_sc=False),
        scratch_types=[
            pltpu.VMEM_SHARED((n, d), jnp.float32),
            pltpu.VMEM((nchunks, ch), jnp.int32),
            pltpu.VMEM((nchunks, ch), jnp.int32),
            pltpu.VMEM((ch, d), jnp.float32),
            pltpu.VMEM((ch, d), jnp.float32),
            pltpu.SemaphoreType.DMA,
            pltpu.SemaphoreType.DMA,
        ],
    )(z, src3, dst3, zeros)


_BLK = 1000
_NBLK = N_NODES // _BLK


def _elu(t):
    return jnp.where(t > 0, t, jnp.exp(jnp.minimum(t, 0.0)) - 1.0)


def _bdot(a, b):
    return jnp.dot(a.astype(jnp.bfloat16), b.astype(jnp.bfloat16),
                   preferred_element_type=jnp.float32)


def _gin_body(h_ref, a0_ref, a1_ref, w_ref, b_ref, o_ref):
    t = _bdot(h_ref[...] + a0_ref[...] + a1_ref[...], w_ref[...]) + b_ref[...]
    o_ref[...] = _elu(t)


def _gin_layer(h, a0, a1, w, b):
    m, k = h.shape
    kk, nn = w.shape
    return pl.pallas_call(
        _gin_body,
        grid=(_NBLK,),
        in_specs=[pl.BlockSpec((_BLK, k), lambda i: (i, 0)),
                  pl.BlockSpec((_BLK, k), lambda i: (i, 0)),
                  pl.BlockSpec((_BLK, k), lambda i: (i, 0)),
                  pl.BlockSpec((k, nn), lambda i: (0, 0)),
                  pl.BlockSpec((1, nn), lambda i: (0, 0))],
        out_specs=pl.BlockSpec((_BLK, nn), lambda i: (i, 0)),
        out_shape=jax.ShapeDtypeStruct((m, nn), jnp.float32),
    )(h, a0, a1, w, b)


def _final_body(h_ref, a0_ref, a1_ref, w3_ref, b3_ref, batch_ref,
                fw1_ref, fb1_ref, fw2_ref, fb2_ref, fw3_ref, fb3_ref,
                o_ref, acc_ref):
    i = pl.program_id(0)
    t = _bdot(h_ref[...] + a0_ref[...] + a1_ref[...], w3_ref[...]) + b3_ref[...]
    h3 = _elu(t)
    gid = batch_ref[...]
    onehot = (gid == lax.broadcasted_iota(jnp.int32, (_BLK, N_GRAPHS), 1)
              ).astype(jnp.float32)
    hb = jnp.concatenate(
        [h3, jnp.ones((_BLK, 1), jnp.float32),
         jnp.zeros((_BLK, 63), jnp.float32)], axis=1)
    part = lax.dot_general(onehot, hb, (((0,), (0,)), ((), ())),
                           preferred_element_type=jnp.float32,
                           precision=lax.Precision.HIGHEST)

    @pl.when(i == 0)
    def _():
        acc_ref[...] = jnp.zeros_like(acc_ref)

    acc_ref[...] += part

    @pl.when(i == _NBLK - 1)
    def _():
        acc = acc_ref[...]
        sums = acc[:, :N_GRAPHS]
        counts = acc[:, N_GRAPHS:N_GRAPHS + 1]
        g = sums / jnp.maximum(counts, 1.0)
        g1 = _elu(_bdot(g, fw1_ref[...]) + fb1_ref[...])
        g2 = _elu(_bdot(g1, fw2_ref[...]) + fb2_ref[...])
        out = lax.dot_general(fw3_ref[...].astype(jnp.bfloat16),
                              g2.astype(jnp.bfloat16),
                              (((0,), (1,)), ((), ())),
                              preferred_element_type=jnp.float32)
        o_ref[...] = out + fb3_ref[...]


def _final_stage(h2, a0, a1, w3, b3, batch2d, fw1, fb1, fw2, fb2, fw3, fb3):
    return pl.pallas_call(
        _final_body,
        grid=(_NBLK,),
        in_specs=[pl.BlockSpec((_BLK, 64), lambda i: (i, 0)),
                  pl.BlockSpec((_BLK, 64), lambda i: (i, 0)),
                  pl.BlockSpec((_BLK, 64), lambda i: (i, 0)),
                  pl.BlockSpec((64, 64), lambda i: (0, 0)),
                  pl.BlockSpec((1, 64), lambda i: (0, 0)),
                  pl.BlockSpec((_BLK, 1), lambda i: (i, 0)),
                  pl.BlockSpec((64, 64), lambda i: (0, 0)),
                  pl.BlockSpec((1, 64), lambda i: (0, 0)),
                  pl.BlockSpec((64, 32), lambda i: (0, 0)),
                  pl.BlockSpec((1, 32), lambda i: (0, 0)),
                  pl.BlockSpec((32, 1), lambda i: (0, 0)),
                  pl.BlockSpec((1, 1), lambda i: (0, 0))],
        out_specs=pl.BlockSpec((1, 64), lambda i: (0, 0)),
        out_shape=jax.ShapeDtypeStruct((1, 64), jnp.float32),
        scratch_shapes=[pltpu.VMEM((64, 128), jnp.float32)],
    )(h2, a0, a1, w3, b3, batch2d, fw1, fb1, fw2, fb2, fw3, fb3)


def kernel(x, edge_index, batch, W1, b1, W2, b2, W3, b3,
           fW1, fb1, fW2, fb2, fW3, fb3):
    src = edge_index[0].astype(jnp.int32)
    dst = edge_index[1].astype(jnp.int32)
    batch2d = batch.astype(jnp.int32).reshape(N_NODES, 1)
    z32 = jnp.zeros((N_NODES, 32), jnp.float32)
    z64 = jnp.zeros((N_NODES, 64), jnp.float32)
    z128 = jnp.zeros((N_NODES, 128), jnp.float32)

    p1 = _segsum_sc(x, src, dst, z128)
    h1 = _gin_layer(x, p1[0], p1[1], W1, b1.reshape(1, -1))

    p2 = _segsum_sc(h1, src, dst, z32)
    h2 = _gin_layer(h1, p2[0], p2[1], W2, b2.reshape(1, -1))

    p3 = _segsum_sc(h2, src, dst, z64)
    out = _final_stage(h2, p3[0], p3[1], W3, b3.reshape(1, -1), batch2d,
                       fW1, fb1.reshape(1, -1), fW2, fb2.reshape(1, -1),
                       fW3, fb3.reshape(1, -1))
    return out.reshape(-1)

# --- scband reference (transcript-rebuilt; emitter-appended) ---
"""Pipeline reference for scband-net-85263690760638 (READ-ONLY COPY).

The authoritative reference and input builder live on the scoring server;
editing this copy changes nothing except your own understanding.
"""

import jax, jax.numpy as jnp
import numpy as np

N_NODES = 10000
N_EDGES = 320000
D_FEAT = 128
N_GRAPHS = 64


def setup_inputs(seed: int = 0) -> dict:
    key = jax.random.key(seed)
    ks = jax.random.split(key, 16)
    x = jax.random.normal(ks[0], (N_NODES, D_FEAT), dtype=jnp.float32)
    edge_index = jax.random.randint(ks[1], (2, N_EDGES), 0, N_NODES, dtype=jnp.int64)
    batch = jnp.sort(jax.random.randint(ks[2], (N_NODES,), 0, N_GRAPHS, dtype=jnp.int64))
    def lin(k, fan_in, fan_out):
        kw, kb = jax.random.split(k)
        bound = 1.0 / np.sqrt(fan_in)
        W = jax.random.uniform(kw, (fan_in, fan_out), minval=-bound, maxval=bound, dtype=jnp.float32)
        b = jax.random.uniform(kb, (fan_out,), minval=-bound, maxval=bound, dtype=jnp.float32)
        return W, b
    W1, b1 = lin(ks[3], D_FEAT, 32)
    W2, b2 = lin(ks[4], 32, 64)
    W3, b3 = lin(ks[5], 64, 64)
    fW1, fb1 = lin(ks[6], 64, 64)
    fW2, fb2 = lin(ks[7], 64, 32)
    fW3, fb3 = lin(ks[8], 32, 1)
    return {"x": x, "edge_index": edge_index, "batch": batch,
            "W1": W1, "b1": b1, "W2": W2, "b2": b2, "W3": W3, "b3": b3,
            "fW1": fW1, "fb1": fb1, "fW2": fW2, "fb2": fb2, "fW3": fW3, "fb3": fb3}


def _gin_conv(x, edge_index, W, b, eps=0.0):
    # GINConv: nn((1+eps)*x + sum_{j in N(i)} x_j)
    src = edge_index[0]
    dst = edge_index[1]
    msgs = jnp.take(x, src, axis=0)
    agg = jax.ops.segment_sum(msgs, dst, num_segments=x.shape[0])
    h = (1.0 + eps) * x + agg
    return h @ W + b


def reference(x, edge_index, batch, W1, b1, W2, b2, W3, b3, fW1, fb1, fW2, fb2, fW3, fb3):
    h = jax.nn.elu(_gin_conv(x, edge_index, W1, b1))
    h = jax.nn.elu(_gin_conv(h, edge_index, W2, b2))
    h = jax.nn.elu(_gin_conv(h, edge_index, W3, b3))
    # scatter_mean over batch -> graph-level readout
    sums = jax.ops.segment_sum(h, batch, num_segments=N_GRAPHS)
    counts = jax.ops.segment_sum(jnp.ones((h.shape[0],), dtype=h.dtype), batch, num_segments=N_GRAPHS)
    g = sums / jnp.clip(counts, 1.0)[:, None]
    g = jax.nn.elu(g @ fW1 + fb1)
    g = jax.nn.elu(g @ fW2 + fb2)
    g = g @ fW3 + fb3
    # args.type == 'regression' -> x.view(-1)
    return g.reshape(-1)

if __name__ == "__main__":
    import jax
    _d = setup_inputs()
    print(jax.jit(kernel)(*tuple(_d.values())))

</pallas_src>

<mosaic_0001>
#map = affine_map<(d0, d1) -> (0, 0)>
#map1 = affine_map<(d0, d1) -> (0, 0, 0)>
module attributes {stable_mosaic.version = 14 : i64} {
  func.func @body(%arg0: i32, %arg1: i32, %arg2: memref<10000x128xf32, #tpu.memory_space<hbm>>, %arg3: memref<32x125x80xi32, #tpu.memory_space<hbm>>, %arg4: memref<32x125x80xi32, #tpu.memory_space<hbm>>, %arg5: memref<10000x128xf32, #tpu.memory_space<hbm>>, %arg6: memref<2x10000x128xf32, #tpu.memory_space<hbm>>, %arg7: memref<10000x128xf32, #tpu.memory_space<vmem_shared>>, %arg8: memref<125x80xi32, #tpu.memory_space<vmem>>, %arg9: memref<125x80xi32, #tpu.memory_space<vmem>>, %arg10: memref<80x128xf32, #tpu.memory_space<vmem>>, %arg11: memref<80x128xf32, #tpu.memory_space<vmem>>, %arg12: memref<!tpu.dma_semaphore, #tpu.memory_space<semaphore_mem>>, %arg13: memref<!tpu.dma_semaphore, #tpu.memory_space<semaphore_mem>>) attributes {dimension_semantics = [#tpu.dimension_semantics<core_parallel>, #tpu.dimension_semantics<subcore_parallel>], iteration_bounds = array<i64: 2, 16>, scalar_prefetch = 0 : i64, scratch_operands = 7 : i64, tpu.core_type = #tpu.core_type<sc_vector_subcore>, window_params = [{transform_indices = #map}, {transform_indices = #map1}, {transform_indices = #map1}, {transform_indices = #map}, {transform_indices = #map1}]} {
    %mul3A = arith.constant 1000 : i32
    %mul3A_0 = arith.muli %arg1, %mul3A : i32
    %mul3A_1 = arith.constant 16 : i32
    %mul3A_2 = arith.muli %arg0, %mul3A_1 : i32
    %add3A = arith.addi %mul3A_2, %arg1 : i32
    "tpu.region"() ({
      %run_scoped3A = tpu.sem_alloc : memref<!tpu.dma_semaphore, #tpu.memory_space<semaphore_mem>>
      %dma_start3A_22 = arith.constant 0 : i32
      %dma_start3A_23 = arith.constant 0 : i32
      %dma_start3A_24 = tpu.memref_slice %arg3[%add3A, %dma_start3A_22, %dma_start3A_23] : memref<32x125x80xi32, #tpu.memory_space<hbm>> -> memref<1x125x80xi32, #tpu.memory_space<hbm>>
      %dma_start3A_25 = tpu.memref_squeeze %dma_start3A_24 : memref<1x125x80xi32, #tpu.memory_space<hbm>> -> memref<125x80xi32, #tpu.memory_space<hbm>>
      %dma_start3A_26 = arith.constant 0 : i32
      %dma_start3A_27 = arith.constant 0 : i32
      %dma_start3A_28 = tpu.memref_slice %arg3[%add3A, %dma_start3A_26, %dma_start3A_27] : memref<32x125x80xi32, #tpu.memory_space<hbm>> -> memref<1x125x80xi32, #tpu.memory_space<hbm>>
      %dma_start3A_29 = tpu.memref_squeeze %dma_start3A_28 : memref<1x125x80xi32, #tpu.memory_space<hbm>> -> memref<125x80xi32, #tpu.memory_space<hbm>>
      tpu.enqueue_dma source(%dma_start3A_29 : memref<125x80xi32, #tpu.memory_space<hbm>>) target(%arg8 : memref<125x80xi32, #tpu.memory_space<vmem>>) target_semaphore(%run_scoped3A : memref<!tpu.dma_semaphore, #tpu.memory_space<semaphore_mem>>)
      %dma_wait3A = arith.constant 0 : i32
      %dma_wait3A_30 = arith.constant 0 : i32
      %dma_wait3A_31 = tpu.memref_slice %arg3[%add3A, %dma_wait3A, %dma_wait3A_30] : memref<32x125x80xi32, #tpu.memory_space<hbm>> -> memref<1x125x80xi32, #tpu.memory_space<hbm>>
      %dma_wait3A_32 = tpu.memref_squeeze %dma_wait3A_31 : memref<1x125x80xi32, #tpu.memory_space<hbm>> -> memref<125x80xi32, #tpu.memory_space<hbm>>
      %dma_wait3A_33 = arith.constant 0 : i32
      %dma_wait3A_34 = arith.constant 0 : i32
      %dma_wait3A_35 = tpu.memref_slice %arg3[%add3A, %dma_wait3A_33, %dma_wait3A_34] : memref<32x125x80xi32, #tpu.memory_space<hbm>> -> memref<1x125x80xi32, #tpu.memory_space<hbm>>
      %dma_wait3A_36 = tpu.memref_squeeze %dma_wait3A_35 : memref<1x125x80xi32, #tpu.memory_space<hbm>> -> memref<125x80xi32, #tpu.memory_space<hbm>>
      tpu.wait_dma2 semaphore(%run_scoped3A : memref<!tpu.dma_semaphore, #tpu.memory_space<semaphore_mem>>) src(%dma_wait3A_36 : memref<125x80xi32, #tpu.memory_space<hbm>>) dst(%arg8 : memref<125x80xi32, #tpu.memory_space<vmem>>)
      tpu.yield
    }) : () -> ()
    "tpu.region"() ({
      %run_scoped3A = tpu.sem_alloc : memref<!tpu.dma_semaphore, #tpu.memory_space<semaphore_mem>>
      %dma_start3A_22 = arith.constant 0 : i32
      %dma_start3A_23 = arith.constant 0 : i32
      %dma_start3A_24 = tpu.memref_slice %arg4[%add3A, %dma_start3A_22, %dma_start3A_23] : memref<32x125x80xi32, #tpu.memory_space<hbm>> -> memref<1x125x80xi32, #tpu.memory_space<hbm>>
      %dma_start3A_25 = tpu.memref_squeeze %dma_start3A_24 : memref<1x125x80xi32, #tpu.memory_space<hbm>> -> memref<125x80xi32, #tpu.memory_space<hbm>>
      %dma_start3A_26 = arith.constant 0 : i32
      %dma_start3A_27 = arith.constant 0 : i32
      %dma_start3A_28 = tpu.memref_slice %arg4[%add3A, %dma_start3A_26, %dma_start3A_27] : memref<32x125x80xi32, #tpu.memory_space<hbm>> -> memref<1x125x80xi32, #tpu.memory_space<hbm>>
      %dma_start3A_29 = tpu.memref_squeeze %dma_start3A_28 : memref<1x125x80xi32, #tpu.memory_space<hbm>> -> memref<125x80xi32, #tpu.memory_space<hbm>>
      tpu.enqueue_dma source(%dma_start3A_29 : memref<125x80xi32, #tpu.memory_space<hbm>>) target(%arg9 : memref<125x80xi32, #tpu.memory_space<vmem>>) target_semaphore(%run_scoped3A : memref<!tpu.dma_semaphore, #tpu.memory_space<semaphore_mem>>)
      %dma_wait3A = arith.constant 0 : i32
      %dma_wait3A_30 = arith.constant 0 : i32
      %dma_wait3A_31 = tpu.memref_slice %arg4[%add3A, %dma_wait3A, %dma_wait3A_30] : memref<32x125x80xi32, #tpu.memory_space<hbm>> -> memref<1x125x80xi32, #tpu.memory_space<hbm>>
      %dma_wait3A_32 = tpu.memref_squeeze %dma_wait3A_31 : memref<1x125x80xi32, #tpu.memory_space<hbm>> -> memref<125x80xi32, #tpu.memory_space<hbm>>
      %dma_wait3A_33 = arith.constant 0 : i32
      %dma_wait3A_34 = arith.constant 0 : i32
      %dma_wait3A_35 = tpu.memref_slice %arg4[%add3A, %dma_wait3A_33, %dma_wait3A_34] : memref<32x125x80xi32, #tpu.memory_space<hbm>> -> memref<1x125x80xi32, #tpu.memory_space<hbm>>
      %dma_wait3A_36 = tpu.memref_squeeze %dma_wait3A_35 : memref<1x125x80xi32, #tpu.memory_space<hbm>> -> memref<125x80xi32, #tpu.memory_space<hbm>>
      tpu.wait_dma2 semaphore(%run_scoped3A : memref<!tpu.dma_semaphore, #tpu.memory_space<semaphore_mem>>) src(%dma_wait3A_36 : memref<125x80xi32, #tpu.memory_space<hbm>>) dst(%arg9 : memref<125x80xi32, #tpu.memory_space<vmem>>)
      tpu.yield
    }) : () -> ()
    %lt3A = arith.constant 10 : i32
    %lt3A_3 = arith.cmpi slt, %arg1, %lt3A : i32
    %convert_element_type3A = arith.extui %lt3A_3 : i1 to i32
    %cond3A = arith.constant 0 : i32
    %cond3A_4 = arith.cmpi ne, %convert_element_type3A, %cond3A : i32
    scf.if %cond3A_4 {
      "tpu.region"() ({
        %run_scoped3A = tpu.sem_alloc : memref<!tpu.dma_semaphore, #tpu.memory_space<semaphore_mem>>
        %dma_start3A_22 = arith.constant 0 : i32
        %dma_start3A_23 = tpu.memref_slice %arg7[%mul3A_0, %dma_start3A_22] : memref<10000x128xf32, #tpu.memory_space<vmem_shared>> -> memref<1000x128xf32, #tpu.memory_space<vmem_shared>>
        %dma_start3A_24 = arith.constant 0 : i32
        %dma_start3A_25 = tpu.memref_slice %arg5[%mul3A_0, %dma_start3A_24] : memref<10000x128xf32, #tpu.memory_space<hbm>> -> memref<1000x128xf32, #tpu.memory_space<hbm>>
        tpu.enqueue_dma source(%dma_start3A_25 : memref<1000x128xf32, #tpu.memory_space<hbm>>) target(%dma_start3A_23 : memref<1000x128xf32, #tpu.memory_space<vmem_shared>>) target_semaphore(%run_scoped3A : memref<!tpu.dma_semaphore, #tpu.memory_space<semaphore_mem>>)
        %dma_wait3A = arith.constant 0 : i32
        %dma_wait3A_26 = tpu.memref_slice %arg7[%mul3A_0, %dma_wait3A] : memref<10000x128xf32, #tpu.memory_space<vmem_shared>> -> memref<1000x128xf32, #tpu.memory_space<vmem_shared>>
        %dma_wait3A_27 = arith.constant 0 : i32
        %dma_wait3A_28 = tpu.memref_slice %arg5[%mul3A_0, %dma_wait3A_27] : memref<10000x128xf32, #tpu.memory_space<hbm>> -> memref<1000x128xf32, #tpu.memory_space<hbm>>
        tpu.wait_dma2 semaphore(%run_scoped3A : memref<!tpu.dma_semaphore, #tpu.memory_space<semaphore_mem>>) src(%dma_wait3A_28 : memref<1000x128xf32, #tpu.memory_space<hbm>>) dst(%dma_wait3A_26 : memref<1000x128xf32, #tpu.memory_space<vmem_shared>>)
        tpu.yield
      }) : () -> ()
    } else {
    }
    %barrier3A = arith.constant 0 : index
    tpu.barrier barrier_id(%barrier3A)
    %dma_start3A = arith.constant 0 : i32
    %dma_start3A_5 = arith.constant 0 : i32
    %dma_start3A_6 = tpu.memref_slice %arg8[%dma_start3A, %dma_start3A_5] : memref<125x80xi32, #tpu.memory_space<vmem>> -> memref<1x80xi32, #tpu.memory_space<vmem>>
    %dma_start3A_7 = tpu.memref_squeeze %dma_start3A_6 : memref<1x80xi32, #tpu.memory_space<vmem>> -> memref<80xi32, #tpu.memory_space<vmem>>
    %dma_start3A_8 = arith.constant 0 : i32
    %dma_start3A_9 = arith.constant 0 : i32
    %dma_start3A_10 = tpu.memref_slice %arg2[%dma_start3A_8, %dma_start3A_9] : memref<10000x128xf32, #tpu.memory_space<hbm>> -> memref<10000x128xf32, #tpu.memory_space<hbm>>
    tpu.enqueue_indirect_dma source(%dma_start3A_10 : memref<10000x128xf32, #tpu.memory_space<hbm>>) target(%arg10 : memref<80x128xf32, #tpu.memory_space<vmem>>) offsets(%dma_start3A_7 : memref<80xi32, #tpu.memory_space<vmem>>) semaphore(%arg12 : memref<!tpu.dma_semaphore, #tpu.memory_space<semaphore_mem>>)
    %scan3A = arith.constant 0 : i32
    %scan3A_11 = arith.constant 0 : i32
    %scan3A_12 = arith.constant 63 : i32
    %scan3A_13 = arith.addi %scan3A_11, %scan3A_12 : i32
    %scan3A_14 = arith.constant 1 : i32
    scf.for %scan3A_22 = %scan3A_11 to %scan3A_13 step %scan3A_14  : i32 {
      %mul3A_23 = arith.constant 2 : i32
      %mul3A_24 = arith.muli %mul3A_23, %scan3A_22 : i32
      %add3A_25 = arith.constant 1 : i32
      %add3A_26 = arith.addi %mul3A_24, %add3A_25 : i32
      %lt3A_27 = arith.constant 125 : i32
      %lt3A_28 = arith.cmpi slt, %add3A_26, %lt3A_27 : i32
      %convert_element_type3A_29 = arith.extui %lt3A_28 : i1 to i32
      %cond3A_30 = arith.constant 0 : i32
      %cond3A_31 = arith.cmpi ne, %convert_element_type3A_29, %cond3A_30 : i32
      scf.if %cond3A_31 {
        %add3A_51 = arith.constant 1 : i32
        %add3A_52 = arith.addi %mul3A_24, %add3A_51 : i32
        %dma_start3A_53 = arith.constant 0 : i32
        %dma_start3A_54 = tpu.memref_slice %arg8[%add3A_52, %dma_start3A_53] : memref<125x80xi32, #tpu.memory_space<vmem>> -> memref<1x80xi32, #tpu.memory_space<vmem>>
        %dma_start3A_55 = tpu.memref_squeeze %dma_start3A_54 : memref<1x80xi32, #tpu.memory_space<vmem>> -> memref<80xi32, #tpu.memory_space<vmem>>
        %dma_start3A_56 = arith.constant 0 : i32
        %dma_start3A_57 = arith.constant 0 : i32
        %dma_start3A_58 = tpu.memref_slice %arg2[%dma_start3A_56, %dma_start3A_57] : memref<10000x128xf32, #tpu.memory_space<hbm>> -> memref<10000x128xf32, #tpu.memory_space<hbm>>
        tpu.enqueue_indirect_dma source(%dma_start3A_58 : memref<10000x128xf32, #tpu.memory_space<hbm>>) target(%arg11 : memref<80x128xf32, #tpu.memory_space<vmem>>) offsets(%dma_start3A_55 : memref<80xi32, #tpu.memory_space<vmem>>) semaphore(%arg13 : memref<!tpu.dma_semaphore, #tpu.memory_space<semaphore_mem>>)
      } else {
      }
      %dma_wait3A = arith.constant 0 : i32
      %dma_wait3A_32 = tpu.memref_slice %arg8[%mul3A_24, %dma_wait3A] : memref<125x80xi32, #tpu.memory_space<vmem>> -> memref<1x80xi32, #tpu.memory_space<vmem>>
      %dma_wait3A_33 = tpu.memref_squeeze %dma_wait3A_32 : memref<1x80xi32, #tpu.memory_space<vmem>> -> memref<80xi32, #tpu.memory_space<vmem>>
      %dma_wait3A_34 = arith.constant 0 : i32
      %dma_wait3A_35 = arith.constant 0 : i32
      %dma_wait3A_36 = tpu.memref_slice %arg2[%dma_wait3A_34, %dma_wait3A_35] : memref<10000x128xf32, #tpu.memory_space<hbm>> -> memref<10000x128xf32, #tpu.memory_space<hbm>>
      tpu.wait_indirect_dma semaphore(%arg12 : memref<!tpu.dma_semaphore, #tpu.memory_space<semaphore_mem>>) src(%dma_wait3A_36 : memref<10000x128xf32, #tpu.memory_space<hbm>>) dst(%arg10 : memref<80x128xf32, #tpu.memory_space<vmem>>)
      "tpu.region"() ({
        %run_scoped3A = tpu.sem_alloc : memref<!tpu.dma_semaphore, #tpu.memory_space<semaphore_mem>>
        %dma_start3A_51 = arith.constant 0 : i32
        %dma_start3A_52 = tpu.memref_slice %arg9[%mul3A_24, %dma_start3A_51] : memref<125x80xi32, #tpu.memory_space<vmem>> -> memref<1x80xi32, #tpu.memory_space<vmem>>
        %dma_start3A_53 = tpu.memref_squeeze %dma_start3A_52 : memref<1x80xi32, #tpu.memory_space<vmem>> -> memref<80xi32, #tpu.memory_space<vmem>>
        %dma_start3A_54 = arith.constant 0 : i32
        %dma_start3A_55 = arith.constant 0 : i32
        %dma_start3A_56 = tpu.memref_slice %arg7[%dma_start3A_54, %dma_start3A_55] : memref<10000x128xf32, #tpu.memory_space<vmem_shared>> -> memref<10000x128xf32, #tpu.memory_space<vmem_shared>>
        tpu.enqueue_indirect_dma source(%arg10 : memref<80x128xf32, #tpu.memory_space<vmem>>) target(%dma_start3A_56 : memref<10000x128xf32, #tpu.memory_space<vmem_shared>>) offsets(%dma_start3A_53 : memref<80xi32, #tpu.memory_space<vmem>>) semaphore(%run_scoped3A : memref<!tpu.dma_semaphore, #tpu.memory_space<semaphore_mem>>) {add = true}
        %dma_wait3A_57 = arith.constant 0 : i32
        %dma_wait3A_58 = tpu.memref_slice %arg9[%mul3A_24, %dma_wait3A_57] : memref<125x80xi32, #tpu.memory_space<vmem>> -> memref<1x80xi32, #tpu.memory_space<vmem>>
        %dma_wait3A_59 = tpu.memref_squeeze %dma_wait3A_58 : memref<1x80xi32, #tpu.memory_space<vmem>> -> memref<80xi32, #tpu.memory_space<vmem>>
        %dma_wait3A_60 = arith.constant 0 : i32
        %dma_wait3A_61 = arith.constant 0 : i32
        %dma_wait3A_62 = tpu.memref_slice %arg7[%dma_wait3A_60, %dma_wait3A_61] : memref<10000x128xf32, #tpu.memory_space<vmem_shared>> -> memref<10000x128xf32, #tpu.memory_space<vmem_shared>>
        tpu.wait_indirect_dma semaphore(%run_scoped3A : memref<!tpu.dma_semaphore, #tpu.memory_space<semaphore_mem>>) src(%arg10 : memref<80x128xf32, #tpu.memory_space<vmem>>) dst(%dma_wait3A_62 : memref<10000x128xf32, #tpu.memory_space<vmem_shared>>)
        tpu.yield
      }) : () -> ()
      %add3A_37 = arith.constant 2 : i32
      %add3A_38 = arith.addi %mul3A_24, %add3A_37 : i32
      %lt3A_39 = arith.constant 125 : i32
      %lt3A_40 = arith.cmpi slt, %add3A_38, %lt3A_39 : i32
      %convert_element_type3A_41 = arith.extui %lt3A_40 : i1 to i32
      %cond3A_42 = arith.constant 0 : i32
      %cond3A_43 = arith.cmpi ne, %convert_element_type3A_41, %cond3A_42 : i32
      scf.if %cond3A_43 {
        %add3A_51 = arith.constant 2 : i32
        %add3A_52 = arith.addi %mul3A_24, %add3A_51 : i32
        %dma_start3A_53 = arith.constant 0 : i32
        %dma_start3A_54 = tpu.memref_slice %arg8[%add3A_52, %dma_start3A_53] : memref<125x80xi32, #tpu.memory_space<vmem>> -> memref<1x80xi32, #tpu.memory_space<vmem>>
        %dma_start3A_55 = tpu.memref_squeeze %dma_start3A_54 : memref<1x80xi32, #tpu.memory_space<vmem>> -> memref<80xi32, #tpu.memory_space<vmem>>
        %dma_start3A_56 = arith.constant 0 : i32
        %dma_start3A_57 = arith.constant 0 : i32
        %dma_start3A_58 = tpu.memref_slice %arg2[%dma_start3A_56, %dma_start3A_57] : memref<10000x128xf32, #tpu.memory_space<hbm>> -> memref<10000x128xf32, #tpu.memory_space<hbm>>
        tpu.enqueue_indirect_dma source(%dma_start3A_58 : memref<10000x128xf32, #tpu.memory_space<hbm>>) target(%arg10 : memref<80x128xf32, #tpu.memory_space<vmem>>) offsets(%dma_start3A_55 : memref<80xi32, #tpu.memory_space<vmem>>) semaphore(%arg12 : memref<!tpu.dma_semaphore, #tpu.memory_space<semaphore_mem>>)
      } else {
      }
      %add3A_44 = arith.constant 1 : i32
      %add3A_45 = arith.addi %mul3A_24, %add3A_44 : i32
      %lt3A_46 = arith.constant 125 : i32
      %lt3A_47 = arith.cmpi slt, %add3A_45, %lt3A_46 : i32
      %convert_element_type3A_48 = arith.extui %lt3A_47 : i1 to i32
      %cond3A_49 = arith.constant 0 : i32
      %cond3A_50 = arith.cmpi ne, %convert_element_type3A_48, %cond3A_49 : i32
      scf.if %cond3A_50 {
        %add3A_51 = arith.constant 1 : i32
        %add3A_52 = arith.addi %mul3A_24, %add3A_51 : i32
        %dma_wait3A_53 = arith.constant 0 : i32
        %dma_wait3A_54 = tpu.memref_slice %arg8[%add3A_52, %dma_wait3A_53] : memref<125x80xi32, #tpu.memory_space<vmem>> -> memref<1x80xi32, #tpu.memory_space<vmem>>
        %dma_wait3A_55 = tpu.memref_squeeze %dma_wait3A_54 : memref<1x80xi32, #tpu.memory_space<vmem>> -> memref<80xi32, #tpu.memory_space<vmem>>
        %dma_wait3A_56 = arith.constant 0 : i32
        %dma_wait3A_57 = arith.constant 0 : i32
        %dma_wait3A_58 = tpu.memref_slice %arg2[%dma_wait3A_56, %dma_wait3A_57] : memref<10000x128xf32, #tpu.memory_space<hbm>> -> memref<10000x128xf32, #tpu.memory_space<hbm>>
        tpu.wait_indirect_dma semaphore(%arg13 : memref<!tpu.dma_semaphore, #tpu.memory_space<semaphore_mem>>) src(%dma_wait3A_58 : memref<10000x128xf32, #tpu.memory_space<hbm>>) dst(%arg11 : memref<80x128xf32, #tpu.memory_space<vmem>>)
        %add3A_59 = arith.constant 1 : i32
        %add3A_60 = arith.addi %mul3A_24, %add3A_59 : i32
        "tpu.region"() ({
          %run_scoped3A = tpu.sem_alloc : memref<!tpu.dma_semaphore, #tpu.memory_space<semaphore_mem>>
          %dma_start3A_61 = arith.constant 0 : i32
          %dma_start3A_62 = tpu.memref_slice %arg9[%add3A_60, %dma_start3A_61] : memref<125x80xi32, #tpu.memory_space<vmem>> -> memref<1x80xi32, #tpu.memory_space<vmem>>
          %dma_start3A_63 = tpu.memref_squeeze %dma_start3A_62 : memref<1x80xi32, #tpu.memory_space<vmem>> -> memref<80xi32, #tpu.memory_space<vmem>>
          %dma_start3A_64 = arith.constant 0 : i32
          %dma_start3A_65 = arith.constant 0 : i32
          %dma_start3A_66 = tpu.memref_slice %arg7[%dma_start3A_64, %dma_start3A_65] : memref<10000x128xf32, #tpu.memory_space<vmem_shared>> -> memref<10000x128xf32, #tpu.memory_space<vmem_shared>>
          tpu.enqueue_indirect_dma source(%arg11 : memref<80x128xf32, #tpu.memory_space<vmem>>) target(%dma_start3A_66 : memref<10000x128xf32, #tpu.memory_space<vmem_shared>>) offsets(%dma_start3A_63 : memref<80xi32, #tpu.memory_space<vmem>>) semaphore(%run_scoped3A : memref<!tpu.dma_semaphore, #tpu.memory_space<semaphore_mem>>) {add = true}
          %dma_wait3A_67 = arith.constant 0 : i32
          %dma_wait3A_68 = tpu.memref_slice %arg9[%add3A_60, %dma_wait3A_67] : memref<125x80xi32, #tpu.memory_space<vmem>> -> memref<1x80xi32, #tpu.memory_space<vmem>>
          %dma_wait3A_69 = tpu.memref_squeeze %dma_wait3A_68 : memref<1x80xi32, #tpu.memory_space<vmem>> -> memref<80xi32, #tpu.memory_space<vmem>>
          %dma_wait3A_70 = arith.constant 0 : i32
          %dma_wait3A_71 = arith.constant 0 : i32
          %dma_wait3A_72 = tpu.memref_slice %arg7[%dma_wait3A_70, %dma_wait3A_71] : memref<10000x128xf32, #tpu.memory_space<vmem_shared>> -> memref<10000x128xf32, #tpu.memory_space<vmem_shared>>
          tpu.wait_indirect_dma semaphore(%run_scoped3A : memref<!tpu.dma_semaphore, #tpu.memory_space<semaphore_mem>>) src(%arg11 : memref<80x128xf32, #tpu.memory_space<vmem>>) dst(%dma_wait3A_72 : memref<10000x128xf32, #tpu.memory_space<vmem_shared>>)
          tpu.yield
        }) : () -> ()
      } else {
      }
    }
    %scan3A_15 = arith.constant 63 : i32
    %barrier3A_16 = arith.constant 0 : index
    tpu.barrier barrier_id(%barrier3A_16)
    %lt3A_17 = arith.constant 10 : i32
    %lt3A_18 = arith.cmpi slt, %arg1, %lt3A_17 : i32
    %convert_element_type3A_19 = arith.extui %lt3A_18 : i1 to i32
    %cond3A_20 = arith.constant 0 : i32
    %cond3A_21 = arith.cmpi ne, %convert_element_type3A_19, %cond3A_20 : i32
    scf.if %cond3A_21 {
      "tpu.region"() ({
        %run_scoped3A = tpu.sem_alloc : memref<!tpu.dma_semaphore, #tpu.memory_space<semaphore_mem>>
        %dma_start3A_22 = arith.constant 0 : i32
        %dma_start3A_23 = tpu.memref_slice %arg6[%arg0, %mul3A_0, %dma_start3A_22] : memref<2x10000x128xf32, #tpu.memory_space<hbm>> -> memref<1x1000x128xf32, #tpu.memory_space<hbm>>
        %dma_start3A_24 = tpu.memref_squeeze %dma_start3A_23 : memref<1x1000x128xf32, #tpu.memory_space<hbm>> -> memref<1000x128xf32, #tpu.memory_space<hbm>>
        %dma_start3A_25 = arith.constant 0 : i32
        %dma_start3A_26 = tpu.memref_slice %arg7[%mul3A_0, %dma_start3A_25] : memref<10000x128xf32, #tpu.memory_space<vmem_shared>> -> memref<1000x128xf32, #tpu.memory_space<vmem_shared>>
        tpu.enqueue_dma source(%dma_start3A_26 : memref<1000x128xf32, #tpu.memory_space<vmem_shared>>) target(%dma_start3A_24 : memref<1000x128xf32, #tpu.memory_space<hbm>>) target_semaphore(%run_scoped3A : memref<!tpu.dma_semaphore, #tpu.memory_space<semaphore_mem>>)
        %dma_wait3A = arith.constant 0 : i32
        %dma_wait3A_27 = tpu.memref_slice %arg6[%arg0, %mul3A_0, %dma_wait3A] : memref<2x10000x128xf32, #tpu.memory_space<hbm>> -> memref<1x1000x128xf32, #tpu.memory_space<hbm>>
        %dma_wait3A_28 = tpu.memref_squeeze %dma_wait3A_27 : memref<1x1000x128xf32, #tpu.memory_space<hbm>> -> memref<1000x128xf32, #tpu.memory_space<hbm>>
        %dma_wait3A_29 = arith.constant 0 : i32
        %dma_wait3A_30 = tpu.memref_slice %arg7[%mul3A_0, %dma_wait3A_29] : memref<10000x128xf32, #tpu.memory_space<vmem_shared>> -> memref<1000x128xf32, #tpu.memory_space<vmem_shared>>
        tpu.wait_dma2 semaphore(%run_scoped3A : memref<!tpu.dma_semaphore, #tpu.memory_space<semaphore_mem>>) src(%dma_wait3A_30 : memref<1000x128xf32, #tpu.memory_space<vmem_shared>>) dst(%dma_wait3A_28 : memref<1000x128xf32, #tpu.memory_space<hbm>>)
        tpu.yield
      }) : () -> ()
    } else {
    }
    return
  }
}

#map = affine_map<(d0, d1) -> (0, 0)>
#map1 = affine_map<(d0, d1) -> (0, 0, 0)>
module attributes {stable_mosaic.version = 14 : i64} {
  func.func @body(%arg0: i32, %arg1: i32, %arg2: memref<10000x64xf32, #tpu.memory_space<hbm>>, %arg3: memref<32x25x400xi32, #tpu.memory_space<hbm>>, %arg4: memref<32x25x400xi32, #tpu.memory_space<hbm>>, %arg5: memref<10000x64xf32, #tpu.memory_space<hbm>>, %arg6: memref<2x10000x64xf32, #tpu.memory_space<hbm>>, %arg7: memref<10000x64xf32, #tpu.memory_space<vmem_shared>>, %arg8: memref<25x400xi32, #tpu.memory_space<vmem>>, %arg9: memref<25x400xi32, #tpu.memory_space<vmem>>, %arg10: memref<400x64xf32, #tpu.memory_space<vmem>>, %arg11: memref<400x64xf32, #tpu.memory_space<vmem>>, %arg12: memref<!tpu.dma_semaphore, #tpu.memory_space<semaphore_mem>>, %arg13: memref<!tpu.dma_semaphore, #tpu.memory_space<semaphore_mem>>) attributes {dimension_semantics = [#tpu.dimension_semantics<core_parallel>, #tpu.dimension_semantics<subcore_parallel>], iteration_bounds = array<i64: 2, 16>, scalar_prefetch = 0 : i64, scratch_operands = 7 : i64, tpu.core_type = #tpu.core_type<sc_vector_subcore>, window_params = [{transform_indices = #map}, {transform_indices = #map1}, {transform_indices = #map1}, {transform_indices = #map}, {transform_indices = #map1}]} {
    %mul3A = arith.constant 1000 : i32
    %mul3A_0 = arith.muli %arg1, %mul3A : i32
    %mul3A_1 = arith.constant 16 : i32
    %mul3A_2 = arith.muli %arg0, %mul3A_1 : i32
    %add3A = arith.addi %mul3A_2, %arg1 : i32
    "tpu.region"() ({
      %run_scoped3A = tpu.sem_alloc : memref<!tpu.dma_semaphore, #tpu.memory_space<semaphore_mem>>
      %dma_start3A_22 = arith.constant 0 : i32
      %dma_start3A_23 = arith.constant 0 : i32
      %dma_start3A_24 = tpu.memref_slice %arg3[%add3A, %dma_start3A_22, %dma_start3A_23] : memref<32x25x400xi32, #tpu.memory_space<hbm>> -> memref<1x25x400xi32, #tpu.memory_space<hbm>>
      %dma_start3A_25 = tpu.memref_squeeze %dma_start3A_24 : memref<1x25x400xi32, #tpu.memory_space<hbm>> -> memref<25x400xi32, #tpu.memory_space<hbm>>
      %dma_start3A_26 = arith.constant 0 : i32
      %dma_start3A_27 = arith.constant 0 : i32
      %dma_start3A_28 = tpu.memref_slice %arg3[%add3A, %dma_start3A_26, %dma_start3A_27] : memref<32x25x400xi32, #tpu.memory_space<hbm>> -> memref<1x25x400xi32, #tpu.memory_space<hbm>>
      %dma_start3A_29 = tpu.memref_squeeze %dma_start3A_28 : memref<1x25x400xi32, #tpu.memory_space<hbm>> -> memref<25x400xi32, #tpu.memory_space<hbm>>
      tpu.enqueue_dma source(%dma_start3A_29 : memref<25x400xi32, #tpu.memory_space<hbm>>) target(%arg8 : memref<25x400xi32, #tpu.memory_space<vmem>>) target_semaphore(%run_scoped3A : memref<!tpu.dma_semaphore, #tpu.memory_space<semaphore_mem>>)
      %dma_wait3A = arith.constant 0 : i32
      %dma_wait3A_30 = arith.constant 0 : i32
      %dma_wait3A_31 = tpu.memref_slice %arg3[%add3A, %dma_wait3A, %dma_wait3A_30] : memref<32x25x400xi32, #tpu.memory_space<hbm>> -> memref<1x25x400xi32, #tpu.memory_space<hbm>>
      %dma_wait3A_32 = tpu.memref_squeeze %dma_wait3A_31 : memref<1x25x400xi32, #tpu.memory_space<hbm>> -> memref<25x400xi32, #tpu.memory_space<hbm>>
      %dma_wait3A_33 = arith.constant 0 : i32
      %dma_wait3A_34 = arith.constant 0 : i32
      %dma_wait3A_35 = tpu.memref_slice %arg3[%add3A, %dma_wait3A_33, %dma_wait3A_34] : memref<32x25x400xi32, #tpu.memory_space<hbm>> -> memref<1x25x400xi32, #tpu.memory_space<hbm>>
      %dma_wait3A_36 = tpu.memref_squeeze %dma_wait3A_35 : memref<1x25x400xi32, #tpu.memory_space<hbm>> -> memref<25x400xi32, #tpu.memory_space<hbm>>
      tpu.wait_dma2 semaphore(%run_scoped3A : memref<!tpu.dma_semaphore, #tpu.memory_space<semaphore_mem>>) src(%dma_wait3A_36 : memref<25x400xi32, #tpu.memory_space<hbm>>) dst(%arg8 : memref<25x400xi32, #tpu.memory_space<vmem>>)
      tpu.yield
    }) : () -> ()
    "tpu.region"() ({
      %run_scoped3A = tpu.sem_alloc : memref<!tpu.dma_semaphore, #tpu.memory_space<semaphore_mem>>
      %dma_start3A_22 = arith.constant 0 : i32
      %dma_start3A_23 = arith.constant 0 : i32
      %dma_start3A_24 = tpu.memref_slice %arg4[%add3A, %dma_start3A_22, %dma_start3A_23] : memref<32x25x400xi32, #tpu.memory_space<hbm>> -> memref<1x25x400xi32, #tpu.memory_space<hbm>>
      %dma_start3A_25 = tpu.memref_squeeze %dma_start3A_24 : memref<1x25x400xi32, #tpu.memory_space<hbm>> -> memref<25x400xi32, #tpu.memory_space<hbm>>
      %dma_start3A_26 = arith.constant 0 : i32
      %dma_start3A_27 = arith.constant 0 : i32
      %dma_start3A_28 = tpu.memref_slice %arg4[%add3A, %dma_start3A_26, %dma_start3A_27] : memref<32x25x400xi32, #tpu.memory_space<hbm>> -> memref<1x25x400xi32, #tpu.memory_space<hbm>>
      %dma_start3A_29 = tpu.memref_squeeze %dma_start3A_28 : memref<1x25x400xi32, #tpu.memory_space<hbm>> -> memref<25x400xi32, #tpu.memory_space<hbm>>
      tpu.enqueue_dma source(%dma_start3A_29 : memref<25x400xi32, #tpu.memory_space<hbm>>) target(%arg9 : memref<25x400xi32, #tpu.memory_space<vmem>>) target_semaphore(%run_scoped3A : memref<!tpu.dma_semaphore, #tpu.memory_space<semaphore_mem>>)
      %dma_wait3A = arith.constant 0 : i32
      %dma_wait3A_30 = arith.constant 0 : i32
      %dma_wait3A_31 = tpu.memref_slice %arg4[%add3A, %dma_wait3A, %dma_wait3A_30] : memref<32x25x400xi32, #tpu.memory_space<hbm>> -> memref<1x25x400xi32, #tpu.memory_space<hbm>>
      %dma_wait3A_32 = tpu.memref_squeeze %dma_wait3A_31 : memref<1x25x400xi32, #tpu.memory_space<hbm>> -> memref<25x400xi32, #tpu.memory_space<hbm>>
      %dma_wait3A_33 = arith.constant 0 : i32
      %dma_wait3A_34 = arith.constant 0 : i32
      %dma_wait3A_35 = tpu.memref_slice %arg4[%add3A, %dma_wait3A_33, %dma_wait3A_34] : memref<32x25x400xi32, #tpu.memory_space<hbm>> -> memref<1x25x400xi32, #tpu.memory_space<hbm>>
      %dma_wait3A_36 = tpu.memref_squeeze %dma_wait3A_35 : memref<1x25x400xi32, #tpu.memory_space<hbm>> -> memref<25x400xi32, #tpu.memory_space<hbm>>
      tpu.wait_dma2 semaphore(%run_scoped3A : memref<!tpu.dma_semaphore, #tpu.memory_space<semaphore_mem>>) src(%dma_wait3A_36 : memref<25x400xi32, #tpu.memory_space<hbm>>) dst(%arg9 : memref<25x400xi32, #tpu.memory_space<vmem>>)
      tpu.yield
    }) : () -> ()
    %lt3A = arith.constant 10 : i32
    %lt3A_3 = arith.cmpi slt, %arg1, %lt3A : i32
    %convert_element_type3A = arith.extui %lt3A_3 : i1 to i32
    %cond3A = arith.constant 0 : i32
    %cond3A_4 = arith.cmpi ne, %convert_element_type3A, %cond3A : i32
    scf.if %cond3A_4 {
      "tpu.region"() ({
        %run_scoped3A = tpu.sem_alloc : memref<!tpu.dma_semaphore, #tpu.memory_space<semaphore_mem>>
        %dma_start3A_22 = arith.constant 0 : i32
        %dma_start3A_23 = tpu.memref_slice %arg7[%mul3A_0, %dma_start3A_22] : memref<10000x64xf32, #tpu.memory_space<vmem_shared>> -> memref<1000x64xf32, #tpu.memory_space<vmem_shared>>
        %dma_start3A_24 = arith.constant 0 : i32
        %dma_start3A_25 = tpu.memref_slice %arg5[%mul3A_0, %dma_start3A_24] : memref<10000x64xf32, #tpu.memory_space<hbm>> -> memref<1000x64xf32, #tpu.memory_space<hbm>>
        tpu.enqueue_dma source(%dma_start3A_25 : memref<1000x64xf32, #tpu.memory_space<hbm>>) target(%dma_start3A_23 : memref<1000x64xf32, #tpu.memory_space<vmem_shared>>) target_semaphore(%run_scoped3A : memref<!tpu.dma_semaphore, #tpu.memory_space<semaphore_mem>>)
        %dma_wait3A = arith.constant 0 : i32
        %dma_wait3A_26 = tpu.memref_slice %arg7[%mul3A_0, %dma_wait3A] : memref<10000x64xf32, #tpu.memory_space<vmem_shared>> -> memref<1000x64xf32, #tpu.memory_space<vmem_shared>>
        %dma_wait3A_27 = arith.constant 0 : i32
        %dma_wait3A_28 = tpu.memref_slice %arg5[%mul3A_0, %dma_wait3A_27] : memref<10000x64xf32, #tpu.memory_space<hbm>> -> memref<1000x64xf32, #tpu.memory_space<hbm>>
        tpu.wait_dma2 semaphore(%run_scoped3A : memref<!tpu.dma_semaphore, #tpu.memory_space<semaphore_mem>>) src(%dma_wait3A_28 : memref<1000x64xf32, #tpu.memory_space<hbm>>) dst(%dma_wait3A_26 : memref<1000x64xf32, #tpu.memory_space<vmem_shared>>)
        tpu.yield
      }) : () -> ()
    } else {
    }
    %barrier3A = arith.constant 0 : index
    tpu.barrier barrier_id(%barrier3A)
    %dma_start3A = arith.constant 0 : i32
    %dma_start3A_5 = arith.constant 0 : i32
    %dma_start3A_6 = tpu.memref_slice %arg8[%dma_start3A, %dma_start3A_5] : memref<25x400xi32, #tpu.memory_space<vmem>> -> memref<1x400xi32, #tpu.memory_space<vmem>>
    %dma_start3A_7 = tpu.memref_squeeze %dma_start3A_6 : memref<1x400xi32, #tpu.memory_space<vmem>> -> memref<400xi32, #tpu.memory_space<vmem>>
    %dma_start3A_8 = arith.constant 0 : i32
    %dma_start3A_9 = arith.constant 0 : i32
    %dma_start3A_10 = tpu.memref_slice %arg2[%dma_start3A_8, %dma_start3A_9] : memref<10000x64xf32, #tpu.memory_space<hbm>> -> memref<10000x64xf32, #tpu.memory_space<hbm>>
    tpu.enqueue_indirect_dma source(%dma_start3A_10 : memref<10000x64xf32, #tpu.memory_space<hbm>>) target(%arg10 : memref<400x64xf32, #tpu.memory_space<vmem>>) offsets(%dma_start3A_7 : memref<400xi32, #tpu.memory_space<vmem>>) semaphore(%arg12 : memref<!tpu.dma_semaphore, #tpu.memory_space<semaphore_mem>>)
    %scan3A = arith.constant 0 : i32
    %scan3A_11 = arith.constant 0 : i32
    %scan3A_12 = arith.constant 13 : i32
    %scan3A_13 = arith.addi %scan3A_11, %scan3A_12 : i32
    %scan3A_14 = arith.constant 1 : i32
    scf.for %scan3A_22 = %scan3A_11 to %scan3A_13 step %scan3A_14  : i32 {
      %mul3A_23 = arith.constant 2 : i32
      %mul3A_24 = arith.muli %mul3A_23, %scan3A_22 : i32
      %add3A_25 = arith.constant 1 : i32
      %add3A_26 = arith.addi %mul3A_24, %add3A_25 : i32
      %lt3A_27 = arith.constant 25 : i32
      %lt3A_28 = arith.cmpi slt, %add3A_26, %lt3A_27 : i32
      %convert_element_type3A_29 = arith.extui %lt3A_28 : i1 to i32
      %cond3A_30 = arith.constant 0 : i32
      %cond3A_31 = arith.cmpi ne, %convert_element_type3A_29, %cond3A_30 : i32
      scf.if %cond3A_31 {
        %add3A_51 = arith.constant 1 : i32
        %add3A_52 = arith.addi %mul3A_24, %add3A_51 : i32
        %dma_start3A_53 = arith.constant 0 : i32
        %dma_start3A_54 = tpu.memref_slice %arg8[%add3A_52, %dma_start3A_53] : memref<25x400xi32, #tpu.memory_space<vmem>> -> memref<1x400xi32, #tpu.memory_space<vmem>>
        %dma_start3A_55 = tpu.memref_squeeze %dma_start3A_54 : memref<1x400xi32, #tpu.memory_space<vmem>> -> memref<400xi32, #tpu.memory_space<vmem>>
        %dma_start3A_56 = arith.constant 0 : i32
        %dma_start3A_57 = arith.constant 0 : i32
        %dma_start3A_58 = tpu.memref_slice %arg2[%dma_start3A_56, %dma_start3A_57] : memref<10000x64xf32, #tpu.memory_space<hbm>> -> memref<10000x64xf32, #tpu.memory_space<hbm>>
        tpu.enqueue_indirect_dma source(%dma_start3A_58 : memref<10000x64xf32, #tpu.memory_space<hbm>>) target(%arg11 : memref<400x64xf32, #tpu.memory_space<vmem>>) offsets(%dma_start3A_55 : memref<400xi32, #tpu.memory_space<vmem>>) semaphore(%arg13 : memref<!tpu.dma_semaphore, #tpu.memory_space<semaphore_mem>>)
      } else {
      }
      %dma_wait3A = arith.constant 0 : i32
      %dma_wait3A_32 = tpu.memref_slice %arg8[%mul3A_24, %dma_wait3A] : memref<25x400xi32, #tpu.memory_space<vmem>> -> memref<1x400xi32, #tpu.memory_space<vmem>>
      %dma_wait3A_33 = tpu.memref_squeeze %dma_wait3A_32 : memref<1x400xi32, #tpu.memory_space<vmem>> -> memref<400xi32, #tpu.memory_space<vmem>>
      %dma_wait3A_34 = arith.constant 0 : i32
      %dma_wait3A_35 = arith.constant 0 : i32
      %dma_wait3A_36 = tpu.memref_slice %arg2[%dma_wait3A_34, %dma_wait3A_35] : memref<10000x64xf32, #tpu.memory_space<hbm>> -> memref<10000x64xf32, #tpu.memory_space<hbm>>
      tpu.wait_indirect_dma semaphore(%arg12 : memref<!tpu.dma_semaphore, #tpu.memory_space<semaphore_mem>>) src(%dma_wait3A_36 : memref<10000x64xf32, #tpu.memory_space<hbm>>) dst(%arg10 : memref<400x64xf32, #tpu.memory_space<vmem>>)
      "tpu.region"() ({
        %run_scoped3A = tpu.sem_alloc : memref<!tpu.dma_semaphore, #tpu.memory_space<semaphore_mem>>
        %dma_start3A_51 = arith.constant 0 : i32
        %dma_start3A_52 = tpu.memref_slice %arg9[%mul3A_24, %dma_start3A_51] : memref<25x400xi32, #tpu.memory_space<vmem>> -> memref<1x400xi32, #tpu.memory_space<vmem>>
        %dma_start3A_53 = tpu.memref_squeeze %dma_start3A_52 : memref<1x400xi32, #tpu.memory_space<vmem>> -> memref<400xi32, #tpu.memory_space<vmem>>
        %dma_start3A_54 = arith.constant 0 : i32
        %dma_start3A_55 = arith.constant 0 : i32
        %dma_start3A_56 = tpu.memref_slice %arg7[%dma_start3A_54, %dma_start3A_55] : memref<10000x64xf32, #tpu.memory_space<vmem_shared>> -> memref<10000x64xf32, #tpu.memory_space<vmem_shared>>
        tpu.enqueue_indirect_dma source(%arg10 : memref<400x64xf32, #tpu.memory_space<vmem>>) target(%dma_start3A_56 : memref<10000x64xf32, #tpu.memory_space<vmem_shared>>) offsets(%dma_start3A_53 : memref<400xi32, #tpu.memory_space<vmem>>) semaphore(%run_scoped3A : memref<!tpu.dma_semaphore, #tpu.memory_space<semaphore_mem>>) {add = true}
        %dma_wait3A_57 = arith.constant 0 : i32
        %dma_wait3A_58 = tpu.memref_slice %arg9[%mul3A_24, %dma_wait3A_57] : memref<25x400xi32, #tpu.memory_space<vmem>> -> memref<1x400xi32, #tpu.memory_space<vmem>>
        %dma_wait3A_59 = tpu.memref_squeeze %dma_wait3A_58 : memref<1x400xi32, #tpu.memory_space<vmem>> -> memref<400xi32, #tpu.memory_space<vmem>>
        %dma_wait3A_60 = arith.constant 0 : i32
        %dma_wait3A_61 = arith.constant 0 : i32
        %dma_wait3A_62 = tpu.memref_slice %arg7[%dma_wait3A_60, %dma_wait3A_61] : memref<10000x64xf32, #tpu.memory_space<vmem_shared>> -> memref<10000x64xf32, #tpu.memory_space<vmem_shared>>
        tpu.wait_indirect_dma semaphore(%run_scoped3A : memref<!tpu.dma_semaphore, #tpu.memory_space<semaphore_mem>>) src(%arg10 : memref<400x64xf32, #tpu.memory_space<vmem>>) dst(%dma_wait3A_62 : memref<10000x64xf32, #tpu.memory_space<vmem_shared>>)
        tpu.yield
      }) : () -> ()
      %add3A_37 = arith.constant 2 : i32
      %add3A_38 = arith.addi %mul3A_24, %add3A_37 : i32
      %lt3A_39 = arith.constant 25 : i32
      %lt3A_40 = arith.cmpi slt, %add3A_38, %lt3A_39 : i32
      %convert_element_type3A_41 = arith.extui %lt3A_40 : i1 to i32
      %cond3A_42 = arith.constant 0 : i32
      %cond3A_43 = arith.cmpi ne, %convert_element_type3A_41, %cond3A_42 : i32
      scf.if %cond3A_43 {
        %add3A_51 = arith.constant 2 : i32
        %add3A_52 = arith.addi %mul3A_24, %add3A_51 : i32
        %dma_start3A_53 = arith.constant 0 : i32
        %dma_start3A_54 = tpu.memref_slice %arg8[%add3A_52, %dma_start3A_53] : memref<25x400xi32, #tpu.memory_space<vmem>> -> memref<1x400xi32, #tpu.memory_space<vmem>>
        %dma_start3A_55 = tpu.memref_squeeze %dma_start3A_54 : memref<1x400xi32, #tpu.memory_space<vmem>> -> memref<400xi32, #tpu.memory_space<vmem>>
        %dma_start3A_56 = arith.constant 0 : i32
        %dma_start3A_57 = arith.constant 0 : i32
        %dma_start3A_58 = tpu.memref_slice %arg2[%dma_start3A_56, %dma_start3A_57] : memref<10000x64xf32, #tpu.memory_space<hbm>> -> memref<10000x64xf32, #tpu.memory_space<hbm>>
        tpu.enqueue_indirect_dma source(%dma_start3A_58 : memref<10000x64xf32, #tpu.memory_space<hbm>>) target(%arg10 : memref<400x64xf32, #tpu.memory_space<vmem>>) offsets(%dma_start3A_55 : memref<400xi32, #tpu.memory_space<vmem>>) semaphore(%arg12 : memref<!tpu.dma_semaphore, #tpu.memory_space<semaphore_mem>>)
      } else {
      }
      %add3A_44 = arith.constant 1 : i32
      %add3A_45 = arith.addi %mul3A_24, %add3A_44 : i32
      %lt3A_46 = arith.constant 25 : i32
      %lt3A_47 = arith.cmpi slt, %add3A_45, %lt3A_46 : i32
      %convert_element_type3A_48 = arith.extui %lt3A_47 : i1 to i32
      %cond3A_49 = arith.constant 0 : i32
      %cond3A_50 = arith.cmpi ne, %convert_element_type3A_48, %cond3A_49 : i32
      scf.if %cond3A_50 {
        %add3A_51 = arith.constant 1 : i32
        %add3A_52 = arith.addi %mul3A_24, %add3A_51 : i32
        %dma_wait3A_53 = arith.constant 0 : i32
        %dma_wait3A_54 = tpu.memref_slice %arg8[%add3A_52, %dma_wait3A_53] : memref<25x400xi32, #tpu.memory_space<vmem>> -> memref<1x400xi32, #tpu.memory_space<vmem>>
        %dma_wait3A_55 = tpu.memref_squeeze %dma_wait3A_54 : memref<1x400xi32, #tpu.memory_space<vmem>> -> memref<400xi32, #tpu.memory_space<vmem>>
        %dma_wait3A_56 = arith.constant 0 : i32
        %dma_wait3A_57 = arith.constant 0 : i32
        %dma_wait3A_58 = tpu.memref_slice %arg2[%dma_wait3A_56, %dma_wait3A_57] : memref<10000x64xf32, #tpu.memory_space<hbm>> -> memref<10000x64xf32, #tpu.memory_space<hbm>>
        tpu.wait_indirect_dma semaphore(%arg13 : memref<!tpu.dma_semaphore, #tpu.memory_space<semaphore_mem>>) src(%dma_wait3A_58 : memref<10000x64xf32, #tpu.memory_space<hbm>>) dst(%arg11 : memref<400x64xf32, #tpu.memory_space<vmem>>)
        %add3A_59 = arith.constant 1 : i32
        %add3A_60 = arith.addi %mul3A_24, %add3A_59 : i32
        "tpu.region"() ({
          %run_scoped3A = tpu.sem_alloc : memref<!tpu.dma_semaphore, #tpu.memory_space<semaphore_mem>>
          %dma_start3A_61 = arith.constant 0 : i32
          %dma_start3A_62 = tpu.memref_slice %arg9[%add3A_60, %dma_start3A_61] : memref<25x400xi32, #tpu.memory_space<vmem>> -> memref<1x400xi32, #tpu.memory_space<vmem>>
          %dma_start3A_63 = tpu.memref_squeeze %dma_start3A_62 : memref<1x400xi32, #tpu.memory_space<vmem>> -> memref<400xi32, #tpu.memory_space<vmem>>
          %dma_start3A_64 = arith.constant 0 : i32
          %dma_start3A_65 = arith.constant 0 : i32
          %dma_start3A_66 = tpu.memref_slice %arg7[%dma_start3A_64, %dma_start3A_65] : memref<10000x64xf32, #tpu.memory_space<vmem_shared>> -> memref<10000x64xf32, #tpu.memory_space<vmem_shared>>
          tpu.enqueue_indirect_dma source(%arg11 : memref<400x64xf32, #tpu.memory_space<vmem>>) target(%dma_start3A_66 : memref<10000x64xf32, #tpu.memory_space<vmem_shared>>) offsets(%dma_start3A_63 : memref<400xi32, #tpu.memory_space<vmem>>) semaphore(%run_scoped3A : memref<!tpu.dma_semaphore, #tpu.memory_space<semaphore_mem>>) {add = true}
          %dma_wait3A_67 = arith.constant 0 : i32
          %dma_wait3A_68 = tpu.memref_slice %arg9[%add3A_60, %dma_wait3A_67] : memref<25x400xi32, #tpu.memory_space<vmem>> -> memref<1x400xi32, #tpu.memory_space<vmem>>
          %dma_wait3A_69 = tpu.memref_squeeze %dma_wait3A_68 : memref<1x400xi32, #tpu.memory_space<vmem>> -> memref<400xi32, #tpu.memory_space<vmem>>
          %dma_wait3A_70 = arith.constant 0 : i32
          %dma_wait3A_71 = arith.constant 0 : i32
          %dma_wait3A_72 = tpu.memref_slice %arg7[%dma_wait3A_70, %dma_wait3A_71] : memref<10000x64xf32, #tpu.memory_space<vmem_shared>> -> memref<10000x64xf32, #tpu.memory_space<vmem_shared>>
          tpu.wait_indirect_dma semaphore(%run_scoped3A : memref<!tpu.dma_semaphore, #tpu.memory_space<semaphore_mem>>) src(%arg11 : memref<400x64xf32, #tpu.memory_space<vmem>>) dst(%dma_wait3A_72 : memref<10000x64xf32, #tpu.memory_space<vmem_shared>>)
          tpu.yield
        }) : () -> ()
      } else {
      }
    }
    %scan3A_15 = arith.constant 13 : i32
    %barrier3A_16 = arith.constant 0 : index
    tpu.barrier barrier_id(%barrier3A_16)
    %lt3A_17 = arith.constant 10 : i32
    %lt3A_18 = arith.cmpi slt, %arg1, %lt3A_17 : i32
    %convert_element_type3A_19 = arith.extui %lt3A_18 : i1 to i32
    %cond3A_20 = arith.constant 0 : i32
    %cond3A_21 = arith.cmpi ne, %convert_element_type3A_19, %cond3A_20 : i32
    scf.if %cond3A_21 {
      "tpu.region"() ({
        %run_scoped3A = tpu.sem_alloc : memref<!tpu.dma_semaphore, #tpu.memory_space<semaphore_mem>>
        %dma_start3A_22 = arith.constant 0 : i32
        %dma_start3A_23 = tpu.memref_slice %arg6[%arg0, %mul3A_0, %dma_start3A_22] : memref<2x10000x64xf32, #tpu.memory_space<hbm>> -> memref<1x1000x64xf32, #tpu.memory_space<hbm>>
        %dma_start3A_24 = tpu.memref_squeeze %dma_start3A_23 : memref<1x1000x64xf32, #tpu.memory_space<hbm>> -> memref<1000x64xf32, #tpu.memory_space<hbm>>
        %dma_start3A_25 = arith.constant 0 : i32
        %dma_start3A_26 = tpu.memref_slice %arg7[%mul3A_0, %dma_start3A_25] : memref<10000x64xf32, #tpu.memory_space<vmem_shared>> -> memref<1000x64xf32, #tpu.memory_space<vmem_shared>>
        tpu.enqueue_dma source(%dma_start3A_26 : memref<1000x64xf32, #tpu.memory_space<vmem_shared>>) target(%dma_start3A_24 : memref<1000x64xf32, #tpu.memory_space<hbm>>) target_semaphore(%run_scoped3A : memref<!tpu.dma_semaphore, #tpu.memory_space<semaphore_mem>>)
        %dma_wait3A = arith.constant 0 : i32
        %dma_wait3A_27 = tpu.memref_slice %arg6[%arg0, %mul3A_0, %dma_wait3A] : memref<2x10000x64xf32, #tpu.memory_space<hbm>> -> memref<1x1000x64xf32, #tpu.memory_space<hbm>>
        %dma_wait3A_28 = tpu.memref_squeeze %dma_wait3A_27 : memref<1x1000x64xf32, #tpu.memory_space<hbm>> -> memref<1000x64xf32, #tpu.memory_space<hbm>>
        %dma_wait3A_29 = arith.constant 0 : i32
        %dma_wait3A_30 = tpu.memref_slice %arg7[%mul3A_0, %dma_wait3A_29] : memref<10000x64xf32, #tpu.memory_space<vmem_shared>> -> memref<1000x64xf32, #tpu.memory_space<vmem_shared>>
        tpu.wait_dma2 semaphore(%run_scoped3A : memref<!tpu.dma_semaphore, #tpu.memory_space<semaphore_mem>>) src(%dma_wait3A_30 : memref<1000x64xf32, #tpu.memory_space<vmem_shared>>) dst(%dma_wait3A_28 : memref<1000x64xf32, #tpu.memory_space<hbm>>)
        tpu.yield
      }) : () -> ()
    } else {
    }
    return
  }
}

#map = affine_map<(d0, d1) -> (0, 0)>
#map1 = affine_map<(d0, d1) -> (0, 0, 0)>
module attributes {stable_mosaic.version = 14 : i64} {
  func.func @body(%arg0: i32, %arg1: i32, %arg2: memref<10000x32xf32, #tpu.memory_space<hbm>>, %arg3: memref<32x25x400xi32, #tpu.memory_space<hbm>>, %arg4: memref<32x25x400xi32, #tpu.memory_space<hbm>>, %arg5: memref<10000x32xf32, #tpu.memory_space<hbm>>, %arg6: memref<2x10000x32xf32, #tpu.memory_space<hbm>>, %arg7: memref<10000x32xf32, #tpu.memory_space<vmem_shared>>, %arg8: memref<25x400xi32, #tpu.memory_space<vmem>>, %arg9: memref<25x400xi32, #tpu.memory_space<vmem>>, %arg10: memref<400x32xf32, #tpu.memory_space<vmem>>, %arg11: memref<400x32xf32, #tpu.memory_space<vmem>>, %arg12: memref<!tpu.dma_semaphore, #tpu.memory_space<semaphore_mem>>, %arg13: memref<!tpu.dma_semaphore, #tpu.memory_space<semaphore_mem>>) attributes {dimension_semantics = [#tpu.dimension_semantics<core_parallel>, #tpu.dimension_semantics<subcore_parallel>], iteration_bounds = array<i64: 2, 16>, scalar_prefetch = 0 : i64, scratch_operands = 7 : i64, tpu.core_type = #tpu.core_type<sc_vector_subcore>, window_params = [{transform_indices = #map}, {transform_indices = #map1}, {transform_indices = #map1}, {transform_indices = #map}, {transform_indices = #map1}]} {
    %mul3A = arith.constant 1000 : i32
    %mul3A_0 = arith.muli %arg1, %mul3A : i32
    %mul3A_1 = arith.constant 16 : i32
    %mul3A_2 = arith.muli %arg0, %mul3A_1 : i32
    %add3A = arith.addi %mul3A_2, %arg1 : i32
    "tpu.region"() ({
      %run_scoped3A = tpu.sem_alloc : memref<!tpu.dma_semaphore, #tpu.memory_space<semaphore_mem>>
      %dma_start3A_22 = arith.constant 0 : i32
      %dma_start3A_23 = arith.constant 0 : i32
      %dma_start3A_24 = tpu.memref_slice %arg3[%add3A, %dma_start3A_22, %dma_start3A_23] : memref<32x25x400xi32, #tpu.memory_space<hbm>> -> memref<1x25x400xi32, #tpu.memory_space<hbm>>
      %dma_start3A_25 = tpu.memref_squeeze %dma_start3A_24 : memref<1x25x400xi32, #tpu.memory_space<hbm>> -> memref<25x400xi32, #tpu.memory_space<hbm>>
      %dma_start3A_26 = arith.constant 0 : i32
      %dma_start3A_27 = arith.constant 0 : i32
      %dma_start3A_28 = tpu.memref_slice %arg3[%add3A, %dma_start3A_26, %dma_start3A_27] : memref<32x25x400xi32, #tpu.memory_space<hbm>> -> memref<1x25x400xi32, #tpu.memory_space<hbm>>
      %dma_start3A_29 = tpu.memref_squeeze %dma_start3A_28 : memref<1x25x400xi32, #tpu.memory_space<hbm>> -> memref<25x400xi32, #tpu.memory_space<hbm>>
      tpu.enqueue_dma source(%dma_start3A_29 : memref<25x400xi32, #tpu.memory_space<hbm>>) target(%arg8 : memref<25x400xi32, #tpu.memory_space<vmem>>) target_semaphore(%run_scoped3A : memref<!tpu.dma_semaphore, #tpu.memory_space<semaphore_mem>>)
      %dma_wait3A = arith.constant 0 : i32
      %dma_wait3A_30 = arith.constant 0 : i32
      %dma_wait3A_31 = tpu.memref_slice %arg3[%add3A, %dma_wait3A, %dma_wait3A_30] : memref<32x25x400xi32, #tpu.memory_space<hbm>> -> memref<1x25x400xi32, #tpu.memory_space<hbm>>
      %dma_wait3A_32 = tpu.memref_squeeze %dma_wait3A_31 : memref<1x25x400xi32, #tpu.memory_space<hbm>> -> memref<25x400xi32, #tpu.memory_space<hbm>>
      %dma_wait3A_33 = arith.constant 0 : i32
      %dma_wait3A_34 = arith.constant 0 : i32
      %dma_wait3A_35 = tpu.memref_slice %arg3[%add3A, %dma_wait3A_33, %dma_wait3A_34] : memref<32x25x400xi32, #tpu.memory_space<hbm>> -> memref<1x25x400xi32, #tpu.memory_space<hbm>>
      %dma_wait3A_36 = tpu.memref_squeeze %dma_wait3A_35 : memref<1x25x400xi32, #tpu.memory_space<hbm>> -> memref<25x400xi32, #tpu.memory_space<hbm>>
      tpu.wait_dma2 semaphore(%run_scoped3A : memref<!tpu.dma_semaphore, #tpu.memory_space<semaphore_mem>>) src(%dma_wait3A_36 : memref<25x400xi32, #tpu.memory_space<hbm>>) dst(%arg8 : memref<25x400xi32, #tpu.memory_space<vmem>>)
      tpu.yield
    }) : () -> ()
    "tpu.region"() ({
      %run_scoped3A = tpu.sem_alloc : memref<!tpu.dma_semaphore, #tpu.memory_space<semaphore_mem>>
      %dma_start3A_22 = arith.constant 0 : i32
      %dma_start3A_23 = arith.constant 0 : i32
      %dma_start3A_24 = tpu.memref_slice %arg4[%add3A, %dma_start3A_22, %dma_start3A_23] : memref<32x25x400xi32, #tpu.memory_space<hbm>> -> memref<1x25x400xi32, #tpu.memory_space<hbm>>
      %dma_start3A_25 = tpu.memref_squeeze %dma_start3A_24 : memref<1x25x400xi32, #tpu.memory_space<hbm>> -> memref<25x400xi32, #tpu.memory_space<hbm>>
      %dma_start3A_26 = arith.constant 0 : i32
      %dma_start3A_27 = arith.constant 0 : i32
      %dma_start3A_28 = tpu.memref_slice %arg4[%add3A, %dma_start3A_26, %dma_start3A_27] : memref<32x25x400xi32, #tpu.memory_space<hbm>> -> memref<1x25x400xi32, #tpu.memory_space<hbm>>
      %dma_start3A_29 = tpu.memref_squeeze %dma_start3A_28 : memref<1x25x400xi32, #tpu.memory_space<hbm>> -> memref<25x400xi32, #tpu.memory_space<hbm>>
      tpu.enqueue_dma source(%dma_start3A_29 : memref<25x400xi32, #tpu.memory_space<hbm>>) target(%arg9 : memref<25x400xi32, #tpu.memory_space<vmem>>) target_semaphore(%run_scoped3A : memref<!tpu.dma_semaphore, #tpu.memory_space<semaphore_mem>>)
      %dma_wait3A = arith.constant 0 : i32
      %dma_wait3A_30 = arith.constant 0 : i32
      %dma_wait3A_31 = tpu.memref_slice %arg4[%add3A, %dma_wait3A, %dma_wait3A_30] : memref<32x25x400xi32, #tpu.memory_space<hbm>> -> memref<1x25x400xi32, #tpu.memory_space<hbm>>
      %dma_wait3A_32 = tpu.memref_squeeze %dma_wait3A_31 : memref<1x25x400xi32, #tpu.memory_space<hbm>> -> memref<25x400xi32, #tpu.memory_space<hbm>>
      %dma_wait3A_33 = arith.constant 0 : i32
      %dma_wait3A_34 = arith.constant 0 : i32
      %dma_wait3A_35 = tpu.memref_slice %arg4[%add3A, %dma_wait3A_33, %dma_wait3A_34] : memref<32x25x400xi32, #tpu.memory_space<hbm>> -> memref<1x25x400xi32, #tpu.memory_space<hbm>>
      %dma_wait3A_36 = tpu.memref_squeeze %dma_wait3A_35 : memref<1x25x400xi32, #tpu.memory_space<hbm>> -> memref<25x400xi32, #tpu.memory_space<hbm>>
      tpu.wait_dma2 semaphore(%run_scoped3A : memref<!tpu.dma_semaphore, #tpu.memory_space<semaphore_mem>>) src(%dma_wait3A_36 : memref<25x400xi32, #tpu.memory_space<hbm>>) dst(%arg9 : memref<25x400xi32, #tpu.memory_space<vmem>>)
      tpu.yield
    }) : () -> ()
    %lt3A = arith.constant 10 : i32
    %lt3A_3 = arith.cmpi slt, %arg1, %lt3A : i32
    %convert_element_type3A = arith.extui %lt3A_3 : i1 to i32
    %cond3A = arith.constant 0 : i32
    %cond3A_4 = arith.cmpi ne, %convert_element_type3A, %cond3A : i32
    scf.if %cond3A_4 {
      "tpu.region"() ({
        %run_scoped3A = tpu.sem_alloc : memref<!tpu.dma_semaphore, #tpu.memory_space<semaphore_mem>>
        %dma_start3A_22 = arith.constant 0 : i32
        %dma_start3A_23 = tpu.memref_slice %arg7[%mul3A_0, %dma_start3A_22] : memref<10000x32xf32, #tpu.memory_space<vmem_shared>> -> memref<1000x32xf32, #tpu.memory_space<vmem_shared>>
        %dma_start3A_24 = arith.constant 0 : i32
        %dma_start3A_25 = tpu.memref_slice %arg5[%mul3A_0, %dma_start3A_24] : memref<10000x32xf32, #tpu.memory_space<hbm>> -> memref<1000x32xf32, #tpu.memory_space<hbm>>
        tpu.enqueue_dma source(%dma_start3A_25 : memref<1000x32xf32, #tpu.memory_space<hbm>>) target(%dma_start3A_23 : memref<1000x32xf32, #tpu.memory_space<vmem_shared>>) target_semaphore(%run_scoped3A : memref<!tpu.dma_semaphore, #tpu.memory_space<semaphore_mem>>)
        %dma_wait3A = arith.constant 0 : i32
        %dma_wait3A_26 = tpu.memref_slice %arg7[%mul3A_0, %dma_wait3A] : memref<10000x32xf32, #tpu.memory_space<vmem_shared>> -> memref<1000x32xf32, #tpu.memory_space<vmem_shared>>
        %dma_wait3A_27 = arith.constant 0 : i32
        %dma_wait3A_28 = tpu.memref_slice %arg5[%mul3A_0, %dma_wait3A_27] : memref<10000x32xf32, #tpu.memory_space<hbm>> -> memref<1000x32xf32, #tpu.memory_space<hbm>>
        tpu.wait_dma2 semaphore(%run_scoped3A : memref<!tpu.dma_semaphore, #tpu.memory_space<semaphore_mem>>) src(%dma_wait3A_28 : memref<1000x32xf32, #tpu.memory_space<hbm>>) dst(%dma_wait3A_26 : memref<1000x32xf32, #tpu.memory_space<vmem_shared>>)
        tpu.yield
      }) : () -> ()
    } else {
    }
    %barrier3A = arith.constant 0 : index
    tpu.barrier barrier_id(%barrier3A)
    %dma_start3A = arith.constant 0 : i32
    %dma_start3A_5 = arith.constant 0 : i32
    %dma_start3A_6 = tpu.memref_slice %arg8[%dma_start3A, %dma_start3A_5] : memref<25x400xi32, #tpu.memory_space<vmem>> -> memref<1x400xi32, #tpu.memory_space<vmem>>
    %dma_start3A_7 = tpu.memref_squeeze %dma_start3A_6 : memref<1x400xi32, #tpu.memory_space<vmem>> -> memref<400xi32, #tpu.memory_space<vmem>>
    %dma_start3A_8 = arith.constant 0 : i32
    %dma_start3A_9 = arith.constant 0 : i32
    %dma_start3A_10 = tpu.memref_slice %arg2[%dma_start3A_8, %dma_start3A_9] : memref<10000x32xf32, #tpu.memory_space<hbm>> -> memref<10000x32xf32, #tpu.memory_space<hbm>>
    tpu.enqueue_indirect_dma source(%dma_start3A_10 : memref<10000x32xf32, #tpu.memory_space<hbm>>) target(%arg10 : memref<400x32xf32, #tpu.memory_space<vmem>>) offsets(%dma_start3A_7 : memref<400xi32, #tpu.memory_space<vmem>>) semaphore(%arg12 : memref<!tpu.dma_semaphore, #tpu.memory_space<semaphore_mem>>)
    %scan3A = arith.constant 0 : i32
    %scan3A_11 = arith.constant 0 : i32
    %scan3A_12 = arith.constant 13 : i32
    %scan3A_13 = arith.addi %scan3A_11, %scan3A_12 : i32
    %scan3A_14 = arith.constant 1 : i32
    scf.for %scan3A_22 = %scan3A_11 to %scan3A_13 step %scan3A_14  : i32 {
      %mul3A_23 = arith.constant 2 : i32
      %mul3A_24 = arith.muli %mul3A_23, %scan3A_22 : i32
      %add3A_25 = arith.constant 1 : i32
      %add3A_26 = arith.addi %mul3A_24, %add3A_25 : i32
      %lt3A_27 = arith.constant 25 : i32
      %lt3A_28 = arith.cmpi slt, %add3A_26, %lt3A_27 : i32
      %convert_element_type3A_29 = arith.extui %lt3A_28 : i1 to i32
      %cond3A_30 = arith.constant 0 : i32
      %cond3A_31 = arith.cmpi ne, %convert_element_type3A_29, %cond3A_30 : i32
      scf.if %cond3A_31 {
        %add3A_51 = arith.constant 1 : i32
        %add3A_52 = arith.addi %mul3A_24, %add3A_51 : i32
        %dma_start3A_53 = arith.constant 0 : i32
        %dma_start3A_54 = tpu.memref_slice %arg8[%add3A_52, %dma_start3A_53] : memref<25x400xi32, #tpu.memory_space<vmem>> -> memref<1x400xi32, #tpu.memory_space<vmem>>
        %dma_start3A_55 = tpu.memref_squeeze %dma_start3A_54 : memref<1x400xi32, #tpu.memory_space<vmem>> -> memref<400xi32, #tpu.memory_space<vmem>>
        %dma_start3A_56 = arith.constant 0 : i32
        %dma_start3A_57 = arith.constant 0 : i32
        %dma_start3A_58 = tpu.memref_slice %arg2[%dma_start3A_56, %dma_start3A_57] : memref<10000x32xf32, #tpu.memory_space<hbm>> -> memref<10000x32xf32, #tpu.memory_space<hbm>>
        tpu.enqueue_indirect_dma source(%dma_start3A_58 : memref<10000x32xf32, #tpu.memory_space<hbm>>) target(%arg11 : memref<400x32xf32, #tpu.memory_space<vmem>>) offsets(%dma_start3A_55 : memref<400xi32, #tpu.memory_space<vmem>>) semaphore(%arg13 : memref<!tpu.dma_semaphore, #tpu.memory_space<semaphore_mem>>)
      } else {
      }
      %dma_wait3A = arith.constant 0 : i32
      %dma_wait3A_32 = tpu.memref_slice %arg8[%mul3A_24, %dma_wait3A] : memref<25x400xi32, #tpu.memory_space<vmem>> -> memref<1x400xi32, #tpu.memory_space<vmem>>
      %dma_wait3A_33 = tpu.memref_squeeze %dma_wait3A_32 : memref<1x400xi32, #tpu.memory_space<vmem>> -> memref<400xi32, #tpu.memory_space<vmem>>
      %dma_wait3A_34 = arith.constant 0 : i32
      %dma_wait3A_35 = arith.constant 0 : i32
      %dma_wait3A_36 = tpu.memref_slice %arg2[%dma_wait3A_34, %dma_wait3A_35] : memref<10000x32xf32, #tpu.memory_space<hbm>> -> memref<10000x32xf32, #tpu.memory_space<hbm>>
      tpu.wait_indirect_dma semaphore(%arg12 : memref<!tpu.dma_semaphore, #tpu.memory_space<semaphore_mem>>) src(%dma_wait3A_36 : memref<10000x32xf32, #tpu.memory_space<hbm>>) dst(%arg10 : memref<400x32xf32, #tpu.memory_space<vmem>>)
      "tpu.region"() ({
        %run_scoped3A = tpu.sem_alloc : memref<!tpu.dma_semaphore, #tpu.memory_space<semaphore_mem>>
        %dma_start3A_51 = arith.constant 0 : i32
        %dma_start3A_52 = tpu.memref_slice %arg9[%mul3A_24, %dma_start3A_51] : memref<25x400xi32, #tpu.memory_space<vmem>> -> memref<1x400xi32, #tpu.memory_space<vmem>>
        %dma_start3A_53 = tpu.memref_squeeze %dma_start3A_52 : memref<1x400xi32, #tpu.memory_space<vmem>> -> memref<400xi32, #tpu.memory_space<vmem>>
        %dma_start3A_54 = arith.constant 0 : i32
        %dma_start3A_55 = arith.constant 0 : i32
        %dma_start3A_56 = tpu.memref_slice %arg7[%dma_start3A_54, %dma_start3A_55] : memref<10000x32xf32, #tpu.memory_space<vmem_shared>> -> memref<10000x32xf32, #tpu.memory_space<vmem_shared>>
        tpu.enqueue_indirect_dma source(%arg10 : memref<400x32xf32, #tpu.memory_space<vmem>>) target(%dma_start3A_56 : memref<10000x32xf32, #tpu.memory_space<vmem_shared>>) offsets(%dma_start3A_53 : memref<400xi32, #tpu.memory_space<vmem>>) semaphore(%run_scoped3A : memref<!tpu.dma_semaphore, #tpu.memory_space<semaphore_mem>>) {add = true}
        %dma_wait3A_57 = arith.constant 0 : i32
        %dma_wait3A_58 = tpu.memref_slice %arg9[%mul3A_24, %dma_wait3A_57] : memref<25x400xi32, #tpu.memory_space<vmem>> -> memref<1x400xi32, #tpu.memory_space<vmem>>
        %dma_wait3A_59 = tpu.memref_squeeze %dma_wait3A_58 : memref<1x400xi32, #tpu.memory_space<vmem>> -> memref<400xi32, #tpu.memory_space<vmem>>
        %dma_wait3A_60 = arith.constant 0 : i32
        %dma_wait3A_61 = arith.constant 0 : i32
        %dma_wait3A_62 = tpu.memref_slice %arg7[%dma_wait3A_60, %dma_wait3A_61] : memref<10000x32xf32, #tpu.memory_space<vmem_shared>> -> memref<10000x32xf32, #tpu.memory_space<vmem_shared>>
        tpu.wait_indirect_dma semaphore(%run_scoped3A : memref<!tpu.dma_semaphore, #tpu.memory_space<semaphore_mem>>) src(%arg10 : memref<400x32xf32, #tpu.memory_space<vmem>>) dst(%dma_wait3A_62 : memref<10000x32xf32, #tpu.memory_space<vmem_shared>>)
        tpu.yield
      }) : () -> ()
      %add3A_37 = arith.constant 2 : i32
      %add3A_38 = arith.addi %mul3A_24, %add3A_37 : i32
      %lt3A_39 = arith.constant 25 : i32
      %lt3A_40 = arith.cmpi slt, %add3A_38, %lt3A_39 : i32
      %convert_element_type3A_41 = arith.extui %lt3A_40 : i1 to i32
      %cond3A_42 = arith.constant 0 : i32
      %cond3A_43 = arith.cmpi ne, %convert_element_type3A_41, %cond3A_42 : i32
      scf.if %cond3A_43 {
        %add3A_51 = arith.constant 2 : i32
        %add3A_52 = arith.addi %mul3A_24, %add3A_51 : i32
        %dma_start3A_53 = arith.constant 0 : i32
        %dma_start3A_54 = tpu.memref_slice %arg8[%add3A_52, %dma_start3A_53] : memref<25x400xi32, #tpu.memory_space<vmem>> -> memref<1x400xi32, #tpu.memory_space<vmem>>
        %dma_start3A_55 = tpu.memref_squeeze %dma_start3A_54 : memref<1x400xi32, #tpu.memory_space<vmem>> -> memref<400xi32, #tpu.memory_space<vmem>>
        %dma_start3A_56 = arith.constant 0 : i32
        %dma_start3A_57 = arith.constant 0 : i32
        %dma_start3A_58 = tpu.memref_slice %arg2[%dma_start3A_56, %dma_start3A_57] : memref<10000x32xf32, #tpu.memory_space<hbm>> -> memref<10000x32xf32, #tpu.memory_space<hbm>>
        tpu.enqueue_indirect_dma source(%dma_start3A_58 : memref<10000x32xf32, #tpu.memory_space<hbm>>) target(%arg10 : memref<400x32xf32, #tpu.memory_space<vmem>>) offsets(%dma_start3A_55 : memref<400xi32, #tpu.memory_space<vmem>>) semaphore(%arg12 : memref<!tpu.dma_semaphore, #tpu.memory_space<semaphore_mem>>)
      } else {
      }
      %add3A_44 = arith.constant 1 : i32
      %add3A_45 = arith.addi %mul3A_24, %add3A_44 : i32
      %lt3A_46 = arith.constant 25 : i32
      %lt3A_47 = arith.cmpi slt, %add3A_45, %lt3A_46 : i32
      %convert_element_type3A_48 = arith.extui %lt3A_47 : i1 to i32
      %cond3A_49 = arith.constant 0 : i32
      %cond3A_50 = arith.cmpi ne, %convert_element_type3A_48, %cond3A_49 : i32
      scf.if %cond3A_50 {
        %add3A_51 = arith.constant 1 : i32
        %add3A_52 = arith.addi %mul3A_24, %add3A_51 : i32
        %dma_wait3A_53 = arith.constant 0 : i32
        %dma_wait3A_54 = tpu.memref_slice %arg8[%add3A_52, %dma_wait3A_53] : memref<25x400xi32, #tpu.memory_space<vmem>> -> memref<1x400xi32, #tpu.memory_space<vmem>>
        %dma_wait3A_55 = tpu.memref_squeeze %dma_wait3A_54 : memref<1x400xi32, #tpu.memory_space<vmem>> -> memref<400xi32, #tpu.memory_space<vmem>>
        %dma_wait3A_56 = arith.constant 0 : i32
        %dma_wait3A_57 = arith.constant 0 : i32
        %dma_wait3A_58 = tpu.memref_slice %arg2[%dma_wait3A_56, %dma_wait3A_57] : memref<10000x32xf32, #tpu.memory_space<hbm>> -> memref<10000x32xf32, #tpu.memory_space<hbm>>
        tpu.wait_indirect_dma semaphore(%arg13 : memref<!tpu.dma_semaphore, #tpu.memory_space<semaphore_mem>>) src(%dma_wait3A_58 : memref<10000x32xf32, #tpu.memory_space<hbm>>) dst(%arg11 : memref<400x32xf32, #tpu.memory_space<vmem>>)
        %add3A_59 = arith.constant 1 : i32
        %add3A_60 = arith.addi %mul3A_24, %add3A_59 : i32
        "tpu.region"() ({
          %run_scoped3A = tpu.sem_alloc : memref<!tpu.dma_semaphore, #tpu.memory_space<semaphore_mem>>
          %dma_start3A_61 = arith.constant 0 : i32
          %dma_start3A_62 = tpu.memref_slice %arg9[%add3A_60, %dma_start3A_61] : memref<25x400xi32, #tpu.memory_space<vmem>> -> memref<1x400xi32, #tpu.memory_space<vmem>>
          %dma_start3A_63 = tpu.memref_squeeze %dma_start3A_62 : memref<1x400xi32, #tpu.memory_space<vmem>> -> memref<400xi32, #tpu.memory_space<vmem>>
          %dma_start3A_64 = arith.constant 0 : i32
          %dma_start3A_65 = arith.constant 0 : i32
          %dma_start3A_66 = tpu.memref_slice %arg7[%dma_start3A_64, %dma_start3A_65] : memref<10000x32xf32, #tpu.memory_space<vmem_shared>> -> memref<10000x32xf32, #tpu.memory_space<vmem_shared>>
          tpu.enqueue_indirect_dma source(%arg11 : memref<400x32xf32, #tpu.memory_space<vmem>>) target(%dma_start3A_66 : memref<10000x32xf32, #tpu.memory_space<vmem_shared>>) offsets(%dma_start3A_63 : memref<400xi32, #tpu.memory_space<vmem>>) semaphore(%run_scoped3A : memref<!tpu.dma_semaphore, #tpu.memory_space<semaphore_mem>>) {add = true}
          %dma_wait3A_67 = arith.constant 0 : i32
          %dma_wait3A_68 = tpu.memref_slice %arg9[%add3A_60, %dma_wait3A_67] : memref<25x400xi32, #tpu.memory_space<vmem>> -> memref<1x400xi32, #tpu.memory_space<vmem>>
          %dma_wait3A_69 = tpu.memref_squeeze %dma_wait3A_68 : memref<1x400xi32, #tpu.memory_space<vmem>> -> memref<400xi32, #tpu.memory_space<vmem>>
          %dma_wait3A_70 = arith.constant 0 : i32
          %dma_wait3A_71 = arith.constant 0 : i32
          %dma_wait3A_72 = tpu.memref_slice %arg7[%dma_wait3A_70, %dma_wait3A_71] : memref<10000x32xf32, #tpu.memory_space<vmem_shared>> -> memref<10000x32xf32, #tpu.memory_space<vmem_shared>>
          tpu.wait_indirect_dma semaphore(%run_scoped3A : memref<!tpu.dma_semaphore, #tpu.memory_space<semaphore_mem>>) src(%arg11 : memref<400x32xf32, #tpu.memory_space<vmem>>) dst(%dma_wait3A_72 : memref<10000x32xf32, #tpu.memory_space<vmem_shared>>)
          tpu.yield
        }) : () -> ()
      } else {
      }
    }
    %scan3A_15 = arith.constant 13 : i32
    %barrier3A_16 = arith.constant 0 : index
    tpu.barrier barrier_id(%barrier3A_16)
    %lt3A_17 = arith.constant 10 : i32
    %lt3A_18 = arith.cmpi slt, %arg1, %lt3A_17 : i32
    %convert_element_type3A_19 = arith.extui %lt3A_18 : i1 to i32
    %cond3A_20 = arith.constant 0 : i32
    %cond3A_21 = arith.cmpi ne, %convert_element_type3A_19, %cond3A_20 : i32
    scf.if %cond3A_21 {
      "tpu.region"() ({
        %run_scoped3A = tpu.sem_alloc : memref<!tpu.dma_semaphore, #tpu.memory_space<semaphore_mem>>
        %dma_start3A_22 = arith.constant 0 : i32
        %dma_start3A_23 = tpu.memref_slice %arg6[%arg0, %mul3A_0, %dma_start3A_22] : memref<2x10000x32xf32, #tpu.memory_space<hbm>> -> memref<1x1000x32xf32, #tpu.memory_space<hbm>>
        %dma_start3A_24 = tpu.memref_squeeze %dma_start3A_23 : memref<1x1000x32xf32, #tpu.memory_space<hbm>> -> memref<1000x32xf32, #tpu.memory_space<hbm>>
        %dma_start3A_25 = arith.constant 0 : i32
        %dma_start3A_26 = tpu.memref_slice %arg7[%mul3A_0, %dma_start3A_25] : memref<10000x32xf32, #tpu.memory_space<vmem_shared>> -> memref<1000x32xf32, #tpu.memory_space<vmem_shared>>
        tpu.enqueue_dma source(%dma_start3A_26 : memref<1000x32xf32, #tpu.memory_space<vmem_shared>>) target(%dma_start3A_24 : memref<1000x32xf32, #tpu.memory_space<hbm>>) target_semaphore(%run_scoped3A : memref<!tpu.dma_semaphore, #tpu.memory_space<semaphore_mem>>)
        %dma_wait3A = arith.constant 0 : i32
        %dma_wait3A_27 = tpu.memref_slice %arg6[%arg0, %mul3A_0, %dma_wait3A] : memref<2x10000x32xf32, #tpu.memory_space<hbm>> -> memref<1x1000x32xf32, #tpu.memory_space<hbm>>
        %dma_wait3A_28 = tpu.memref_squeeze %dma_wait3A_27 : memref<1x1000x32xf32, #tpu.memory_space<hbm>> -> memref<1000x32xf32, #tpu.memory_space<hbm>>
        %dma_wait3A_29 = arith.constant 0 : i32
        %dma_wait3A_30 = tpu.memref_slice %arg7[%mul3A_0, %dma_wait3A_29] : memref<10000x32xf32, #tpu.memory_space<vmem_shared>> -> memref<1000x32xf32, #tpu.memory_space<vmem_shared>>
        tpu.wait_dma2 semaphore(%run_scoped3A : memref<!tpu.dma_semaphore, #tpu.memory_space<semaphore_mem>>) src(%dma_wait3A_30 : memref<1000x32xf32, #tpu.memory_space<vmem_shared>>) dst(%dma_wait3A_28 : memref<1000x32xf32, #tpu.memory_space<hbm>>)
        tpu.yield
      }) : () -> ()
    } else {
    }
    return
  }
}

module attributes {stable_mosaic.version = 14 : i64} {
  func.func @_gin_body(%arg0: i32, %arg1: memref<1000x128xf32, #tpu.memory_space<vmem>>, %arg2: memref<1000x128xf32, #tpu.memory_space<vmem>>, %arg3: memref<1000x128xf32, #tpu.memory_space<vmem>>, %arg4: memref<128x32xf32, #tpu.memory_space<vmem>>, %arg5: memref<1x32xf32, #tpu.memory_space<vmem>>, %arg6: memref<1000x32xf32, #tpu.memory_space<vmem>>) attributes {dimension_semantics = [#tpu.dimension_semantics<arbitrary>], iteration_bounds = array<i64: 10>, scalar_prefetch = 0 : i64, scratch_operands = 0 : i64, tpu.core_type = #tpu.core_type<tc>, window_params = [{transform_indices = @transform_0, window_bounds = array<i64: 1000, 128>}, {transform_indices = @transform_1, window_bounds = array<i64: 1000, 128>}, {transform_indices = @transform_2, window_bounds = array<i64: 1000, 128>}, {pipeline_mode = #tpu.pipeline_mode<synchronous>, transform_indices = @transform_3, window_bounds = array<i64: 128, 32>}, {pipeline_mode = #tpu.pipeline_mode<synchronous>, transform_indices = @transform_4, window_bounds = array<i64: 1, 32>}, {transform_indices = @transform_5, window_bounds = array<i64: 1000, 32>}]} {
    %get3A = arith.constant 0 : index
    %get3A_0 = arith.constant 0 : index
    %get3A_1 = vector.load %arg1[%get3A, %get3A_0] : memref<1000x128xf32, #tpu.memory_space<vmem>>, vector<1000x128xf32>
    %get3A_2 = arith.constant 0 : index
    %get3A_3 = arith.constant 0 : index
    %get3A_4 = vector.load %arg2[%get3A_2, %get3A_3] : memref<1000x128xf32, #tpu.memory_space<vmem>>, vector<1000x128xf32>
    %add3A = arith.addf %get3A_1, %get3A_4 : vector<1000x128xf32>
    %get3A_5 = arith.constant 0 : index
    %get3A_6 = arith.constant 0 : index
    %get3A_7 = vector.load %arg3[%get3A_5, %get3A_6] : memref<1000x128xf32, #tpu.memory_space<vmem>>, vector<1000x128xf32>
    %add3A_8 = arith.addf %add3A, %get3A_7 : vector<1000x128xf32>
    %get3A_9 = arith.constant 0 : index
    %get3A_10 = arith.constant 0 : index
    %get3A_11 = vector.load %arg4[%get3A_9, %get3A_10] : memref<128x32xf32, #tpu.memory_space<vmem>>, vector<128x32xf32>
    %convert_element_type3A = arith.truncf %add3A_8 : vector<1000x128xf32> to vector<1000x128xbf16>
    %convert_element_type3A_12 = arith.truncf %get3A_11 : vector<128x32xf32> to vector<128x32xbf16>
    %dot_general3A = arith.constant dense<0.000000e+00> : vector<1000x32xf32>
    %dot_general3A_13 = tpu.matmul %convert_element_type3A, %convert_element_type3A_12, %dot_general3A {dimension_numbers = #tpu.dot_dimension_numbers<[1], [0], [0], [1], [0, 0, 1, 1], [], []>, transpose_lhs_hint = false} : vector<1000x128xbf16>, vector<128x32xbf16>, vector<1000x32xf32> -> vector<1000x32xf32>
    %get3A_14 = arith.constant 0 : index
    %get3A_15 = arith.constant 0 : index
    %get3A_16 = vector.load %arg5[%get3A_14, %get3A_15] : memref<1x32xf32, #tpu.memory_space<vmem>>, vector<1x32xf32>
    %add3A_17 = vector.broadcast %get3A_16 : vector<1x32xf32> to vector<1000x32xf32>
    %add3A_18 = arith.addf %dot_general3A_13, %add3A_17 : vector<1000x32xf32>
    %gt3A = arith.constant 0.000000e+00 : f32
    %gt3A_19 = vector.broadcast %gt3A : f32 to vector<1000x32xf32>
    %gt3A_20 = arith.cmpf ogt, %add3A_18, %gt3A_19 : vector<1000x32xf32>
    %min3A = arith.constant 0.000000e+00 : f32
    %min3A_21 = vector.broadcast %min3A : f32 to vector<1000x32xf32>
    %min3A_22 = arith.minimumf %add3A_18, %min3A_21 : vector<1000x32xf32>
    %exp3A = math.exp %min3A_22 : vector<1000x32xf32>
    %sub3A = arith.constant 1.000000e+00 : f32
    %sub3A_23 = vector.broadcast %sub3A : f32 to vector<1000x32xf32>
    %sub3A_24 = arith.subf %exp3A, %sub3A_23 : vector<1000x32xf32>
    %select_n3A = arith.select %gt3A_20, %add3A_18, %sub3A_24 : vector<1000x32xi1>, vector<1000x32xf32>
    %swap3A = arith.constant 0 : index
    %swap3A_25 = arith.constant 0 : index
    %swap3A_26 = vector.load %arg6[%swap3A, %swap3A_25] : memref<1000x32xf32, #tpu.memory_space<vmem>>, vector<1000x32xf32>
    tpu.vector_store %arg6[%swap3A, %swap3A_25], %select_n3A {strides = array<i32>} : memref<1000x32xf32, #tpu.memory_space<vmem>>, vector<1000x32xf32>,
    return
  }
  func.func @transform_0(%arg0: i32) -> (i32, i32) {
    %c0_i32 = arith.constant 0 : i32
    %c0_i32_0 = arith.constant 0 : i32
    return %arg0, %c0_i32 : i32, i32
  }
  func.func @transform_1(%arg0: i32) -> (i32, i32) {
    %c0_i32 = arith.constant 0 : i32
    %c0_i32_0 = arith.constant 0 : i32
    return %arg0, %c0_i32 : i32, i32
  }
  func.func @transform_2(%arg0: i32) -> (i32, i32) {
    %c0_i32 = arith.constant 0 : i32
    %c0_i32_0 = arith.constant 0 : i32
    return %arg0, %c0_i32 : i32, i32
  }
  func.func @transform_3(%arg0: i32) -> (i32, i32) {
    %c0_i32 = arith.constant 0 : i32
    %c0_i32_0 = arith.constant 0 : i32
    %c0_i32_1 = arith.constant 0 : i32
    return %c0_i32, %c0_i32_0 : i32, i32
  }
  func.func @transform_4(%arg0: i32) -> (i32, i32) {
    %c0_i32 = arith.constant 0 : i32
    %c0_i32_0 = arith.constant 0 : i32
    %c0_i32_1 = arith.constant 0 : i32
    return %c0_i32, %c0_i32_0 : i32, i32
  }
  func.func @transform_5(%arg0: i32) -> (i32, i32) {
    %c0_i32 = arith.constant 0 : i32
    %c0_i32_0 = arith.constant 0 : i32
    return %arg0, %c0_i32 : i32, i32
  }
}

module attributes {stable_mosaic.version = 14 : i64} {
  func.func @_gin_body(%arg0: i32, %arg1: memref<1000x32xf32, #tpu.memory_space<vmem>>, %arg2: memref<1000x32xf32, #tpu.memory_space<vmem>>, %arg3: memref<1000x32xf32, #tpu.memory_space<vmem>>, %arg4: memref<32x64xf32, #tpu.memory_space<vmem>>, %arg5: memref<1x64xf32, #tpu.memory_space<vmem>>, %arg6: memref<1000x64xf32, #tpu.memory_space<vmem>>) attributes {dimension_semantics = [#tpu.dimension_semantics<arbitrary>], iteration_bounds = array<i64: 10>, scalar_prefetch = 0 : i64, scratch_operands = 0 : i64, tpu.core_type = #tpu.core_type<tc>, window_params = [{transform_indices = @transform_0, window_bounds = array<i64: 1000, 32>}, {transform_indices = @transform_1, window_bounds = array<i64: 1000, 32>}, {transform_indices = @transform_2, window_bounds = array<i64: 1000, 32>}, {pipeline_mode = #tpu.pipeline_mode<synchronous>, transform_indices = @transform_3, window_bounds = array<i64: 32, 64>}, {pipeline_mode = #tpu.pipeline_mode<synchronous>, transform_indices = @transform_4, window_bounds = array<i64: 1, 64>}, {transform_indices = @transform_5, window_bounds = array<i64: 1000, 64>}]} {
    %get3A = arith.constant 0 : index
    %get3A_0 = arith.constant 0 : index
    %get3A_1 = vector.load %arg1[%get3A, %get3A_0] : memref<1000x32xf32, #tpu.memory_space<vmem>>, vector<1000x32xf32>
    %get3A_2 = arith.constant 0 : index
    %get3A_3 = arith.constant 0 : index
    %get3A_4 = vector.load %arg2[%get3A_2, %get3A_3] : memref<1000x32xf32, #tpu.memory_space<vmem>>, vector<1000x32xf32>
    %add3A = arith.addf %get3A_1, %get3A_4 : vector<1000x32xf32>
    %get3A_5 = arith.constant 0 : index
    %get3A_6 = arith.constant 0 : index
    %get3A_7 = vector.load %arg3[%get3A_5, %get3A_6] : memref<1000x32xf32, #tpu.memory_space<vmem>>, vector<1000x32xf32>
    %add3A_8 = arith.addf %add3A, %get3A_7 : vector<1000x32xf32>
    %get3A_9 = arith.constant 0 : index
    %get3A_10 = arith.constant 0 : index
    %get3A_11 = vector.load %arg4[%get3A_9, %get3A_10] : memref<32x64xf32, #tpu.memory_space<vmem>>, vector<32x64xf32>
    %convert_element_type3A = arith.truncf %add3A_8 : vector<1000x32xf32> to vector<1000x32xbf16>
    %convert_element_type3A_12 = arith.truncf %get3A_11 : vector<32x64xf32> to vector<32x64xbf16>
    %dot_general3A = arith.constant dense<0.000000e+00> : vector<1000x64xf32>
    %dot_general3A_13 = tpu.matmul %convert_element_type3A, %convert_element_type3A_12, %dot_general3A {dimension_numbers = #tpu.dot_dimension_numbers<[1], [0], [0], [1], [0, 0, 1, 1], [], []>, transpose_lhs_hint = false} : vector<1000x32xbf16>, vector<32x64xbf16>, vector<1000x64xf32> -> vector<1000x64xf32>
    %get3A_14 = arith.constant 0 : index
    %get3A_15 = arith.constant 0 : index
    %get3A_16 = vector.load %arg5[%get3A_14, %get3A_15] : memref<1x64xf32, #tpu.memory_space<vmem>>, vector<1x64xf32>
    %add3A_17 = vector.broadcast %get3A_16 : vector<1x64xf32> to vector<1000x64xf32>
    %add3A_18 = arith.addf %dot_general3A_13, %add3A_17 : vector<1000x64xf32>
    %gt3A = arith.constant 0.000000e+00 : f32
    %gt3A_19 = vector.broadcast %gt3A : f32 to vector<1000x64xf32>
    %gt3A_20 = arith.cmpf ogt, %add3A_18, %gt3A_19 : vector<1000x64xf32>
    %min3A = arith.constant 0.000000e+00 : f32
    %min3A_21 = vector.broadcast %min3A : f32 to vector<1000x64xf32>
    %min3A_22 = arith.minimumf %add3A_18, %min3A_21 : vector<1000x64xf32>
    %exp3A = math.exp %min3A_22 : vector<1000x64xf32>
    %sub3A = arith.constant 1.000000e+00 : f32
    %sub3A_23 = vector.broadcast %sub3A : f32 to vector<1000x64xf32>
    %sub3A_24 = arith.subf %exp3A, %sub3A_23 : vector<1000x64xf32>
    %select_n3A = arith.select %gt3A_20, %add3A_18, %sub3A_24 : vector<1000x64xi1>, vector<1000x64xf32>
    %swap3A = arith.constant 0 : index
    %swap3A_25 = arith.constant 0 : index
    %swap3A_26 = vector.load %arg6[%swap3A, %swap3A_25] : memref<1000x64xf32, #tpu.memory_space<vmem>>, vector<1000x64xf32>
    tpu.vector_store %arg6[%swap3A, %swap3A_25], %select_n3A {strides = array<i32>} : memref<1000x64xf32, #tpu.memory_space<vmem>>, vector<1000x64xf32>,
    return
  }
  func.func @transform_0(%arg0: i32) -> (i32, i32) {
    %c0_i32 = arith.constant 0 : i32
    %c0_i32_0 = arith.constant 0 : i32
    return %arg0, %c0_i32 : i32, i32
  }
  func.func @transform_1(%arg0: i32) -> (i32, i32) {
    %c0_i32 = arith.constant 0 : i32
    %c0_i32_0 = arith.constant 0 : i32
    return %arg0, %c0_i32 : i32, i32
  }
  func.func @transform_2(%arg0: i32) -> (i32, i32) {
    %c0_i32 = arith.constant 0 : i32
    %c0_i32_0 = arith.constant 0 : i32
    return %arg0, %c0_i32 : i32, i32
  }
  func.func @transform_3(%arg0: i32) -> (i32, i32) {
    %c0_i32 = arith.constant 0 : i32
    %c0_i32_0 = arith.constant 0 : i32
    %c0_i32_1 = arith.constant 0 : i32
    return %c0_i32, %c0_i32_0 : i32, i32
  }
  func.func @transform_4(%arg0: i32) -> (i32, i32) {
    %c0_i32 = arith.constant 0 : i32
    %c0_i32_0 = arith.constant 0 : i32
    %c0_i32_1 = arith.constant 0 : i32
    return %c0_i32, %c0_i32_0 : i32, i32
  }
  func.func @transform_5(%arg0: i32) -> (i32, i32) {
    %c0_i32 = arith.constant 0 : i32
    %c0_i32_0 = arith.constant 0 : i32
    return %arg0, %c0_i32 : i32, i32
  }
}

module attributes {stable_mosaic.version = 14 : i64} {
  func.func @_final_body(%arg0: i32, %arg1: memref<1000x64xf32, #tpu.memory_space<vmem>>, %arg2: memref<1000x64xf32, #tpu.memory_space<vmem>>, %arg3: memref<1000x64xf32, #tpu.memory_space<vmem>>, %arg4: memref<64x64xf32, #tpu.memory_space<vmem>>, %arg5: memref<1x64xf32, #tpu.memory_space<vmem>>, %arg6: memref<1000x1xi32, #tpu.memory_space<vmem>>, %arg7: memref<64x64xf32, #tpu.memory_space<vmem>>, %arg8: memref<1x64xf32, #tpu.memory_space<vmem>>, %arg9: memref<64x32xf32, #tpu.memory_space<vmem>>, %arg10: memref<1x32xf32, #tpu.memory_space<vmem>>, %arg11: memref<32x1xf32, #tpu.memory_space<vmem>>, %arg12: memref<1x1xf32, #tpu.memory_space<vmem>>, %arg13: memref<1x64xf32, #tpu.memory_space<vmem>>, %arg14: memref<64x128xf32, #tpu.memory_space<vmem>>) attributes {dimension_semantics = [#tpu.dimension_semantics<arbitrary>], iteration_bounds = array<i64: 10>, scalar_prefetch = 0 : i64, scratch_operands = 1 : i64, tpu.core_type = #tpu.core_type<tc>, window_params = [{transform_indices = @transform_0, window_bounds = array<i64: 1000, 64>}, {transform_indices = @transform_1, window_bounds = array<i64: 1000, 64>}, {transform_indices = @transform_2, window_bounds = array<i64: 1000, 64>}, {pipeline_mode = #tpu.pipeline_mode<synchronous>, transform_indices = @transform_3, window_bounds = array<i64: 64, 64>}, {pipeline_mode = #tpu.pipeline_mode<synchronous>, transform_indices = @transform_4, window_bounds = array<i64: 1, 64>}, {transform_indices = @transform_5, window_bounds = array<i64: 1000, 1>}, {pipeline_mode = #tpu.pipeline_mode<synchronous>, transform_indices = @transform_6, window_bounds = array<i64: 64, 64>}, {pipeline_mode = #tpu.pipeline_mode<synchronous>, transform_indices = @transform_7, window_bounds = array<i64: 1, 64>}, {pipeline_mode = #tpu.pipeline_mode<synchronous>, transform_indices = @transform_8, window_bounds = array<i64: 64, 32>}, {pipeline_mode = #tpu.pipeline_mode<synchronous>, transform_indices = @transform_9, window_bounds = array<i64: 1, 32>}, {pipeline_mode = #tpu.pipeline_mode<synchronous>, transform_indices = @transform_10, window_bounds = array<i64: 32, 1>}, {pipeline_mode = #tpu.pipeline_mode<synchronous>, transform_indices = @transform_11, window_bounds = array<i64: 1, 1>}, {pipeline_mode = #tpu.pipeline_mode<synchronous>, transform_indices = @transform_12, window_bounds = array<i64: 1, 64>}]} {
    %get3A = arith.constant 0 : index
    %get3A_0 = arith.constant 0 : index
    %get3A_1 = vector.load %arg1[%get3A, %get3A_0] : memref<1000x64xf32, #tpu.memory_space<vmem>>, vector<1000x64xf32>
    %get3A_2 = arith.constant 0 : index
    %get3A_3 = arith.constant 0 : index
    %get3A_4 = vector.load %arg2[%get3A_2, %get3A_3] : memref<1000x64xf32, #tpu.memory_space<vmem>>, vector<1000x64xf32>
    %add3A = arith.addf %get3A_1, %get3A_4 : vector<1000x64xf32>
    %get3A_5 = arith.constant 0 : index
    %get3A_6 = arith.constant 0 : index
    %get3A_7 = vector.load %arg3[%get3A_5, %get3A_6] : memref<1000x64xf32, #tpu.memory_space<vmem>>, vector<1000x64xf32>
    %add3A_8 = arith.addf %add3A, %get3A_7 : vector<1000x64xf32>
    %get3A_9 = arith.constant 0 : index
    %get3A_10 = arith.constant 0 : index
    %get3A_11 = vector.load %arg4[%get3A_9, %get3A_10] : memref<64x64xf32, #tpu.memory_space<vmem>>, vector<64x64xf32>
    %convert_element_type3A = arith.truncf %add3A_8 : vector<1000x64xf32> to vector<1000x64xbf16>
    %convert_element_type3A_12 = arith.truncf %get3A_11 : vector<64x64xf32> to vector<64x64xbf16>
    %dot_general3A = arith.constant dense<0.000000e+00> : vector<1000x64xf32>
    %dot_general3A_13 = tpu.matmul %convert_element_type3A, %convert_element_type3A_12, %dot_general3A {dimension_numbers = #tpu.dot_dimension_numbers<[1], [0], [0], [1], [0, 0, 1, 1], [], []>, transpose_lhs_hint = false} : vector<1000x64xbf16>, vector<64x64xbf16>, vector<1000x64xf32> -> vector<1000x64xf32>
    %get3A_14 = arith.constant 0 : index
    %get3A_15 = arith.constant 0 : index
    %get3A_16 = vector.load %arg5[%get3A_14, %get3A_15] : memref<1x64xf32, #tpu.memory_space<vmem>>, vector<1x64xf32>
    %add3A_17 = vector.broadcast %get3A_16 : vector<1x64xf32> to vector<1000x64xf32>
    %add3A_18 = arith.addf %dot_general3A_13, %add3A_17 : vector<1000x64xf32>
    %gt3A = arith.constant 0.000000e+00 : f32
    %gt3A_19 = vector.broadcast %gt3A : f32 to vector<1000x64xf32>
    %gt3A_20 = arith.cmpf ogt, %add3A_18, %gt3A_19 : vector<1000x64xf32>
    %min3A = arith.constant 0.000000e+00 : f32
    %min3A_21 = vector.broadcast %min3A : f32 to vector<1000x64xf32>
    %min3A_22 = arith.minimumf %add3A_18, %min3A_21 : vector<1000x64xf32>
    %exp3A = math.exp %min3A_22 : vector<1000x64xf32>
    %sub3A = arith.constant 1.000000e+00 : f32
    %sub3A_23 = vector.broadcast %sub3A : f32 to vector<1000x64xf32>
    %sub3A_24 = arith.subf %exp3A, %sub3A_23 : vector<1000x64xf32>
    %select_n3A = arith.select %gt3A_20, %add3A_18, %sub3A_24 : vector<1000x64xi1>, vector<1000x64xf32>
    %get3A_25 = arith.constant 0 : index
    %get3A_26 = arith.constant 0 : index
    %get3A_27 = vector.load %arg6[%get3A_25, %get3A_26] : memref<1000x1xi32, #tpu.memory_space<vmem>>, vector<1000x1xi32>
    %iota3A = tpu.iota {dimensions = array<i32: 1>} : vector<1000x64xi32>
    %eq3A = vector.broadcast %get3A_27 : vector<1000x1xi32> to vector<1000x64xi32>
    %eq3A_28 = arith.cmpi eq, %eq3A, %iota3A : vector<1000x64xi32>
    %convert_element_type3A_29 = arith.extui %eq3A_28 : vector<1000x64xi1> to vector<1000x64xi32>
    %convert_element_type3A_30 = arith.sitofp %convert_element_type3A_29 : vector<1000x64xi32> to vector<1000x64xf32>
    %broadcast_in_dim3A = arith.constant 1.000000e+00 : f32
    %broadcast_in_dim3A_31 = vector.broadcast %broadcast_in_dim3A : f32 to vector<1000x1xf32>
    %broadcast_in_dim3A_32 = arith.constant 0.000000e+00 : f32
    %broadcast_in_dim3A_33 = vector.broadcast %broadcast_in_dim3A_32 : f32 to vector<1000x63xf32>
    %concatenate3A = tpu.concatenate %select_n3A, %broadcast_in_dim3A_31, %broadcast_in_dim3A_33 in 1 : vector<1000x64xf32>, vector<1000x1xf32>, vector<1000x63xf32> -> vector<1000x128xf32>
    %dot_general3A_34 = arith.constant dense<0.000000e+00> : vector<64x128xf32>
    %dot_general3A_35 = tpu.matmul %convert_element_type3A_30, %concatenate3A, %dot_general3A_34 {dimension_numbers = #tpu.dot_dimension_numbers<[0], [0], [1], [1], [0, 1, 1, 1], [], []>, precision = #tpu.contract_precision<fp32>, transpose_lhs_hint = false} : vector<1000x64xf32>, vector<1000x128xf32>, vector<64x128xf32> -> vector<64x128xf32>
    %eq3A_36 = arith.constant 0 : i32
    %eq3A_37 = arith.cmpi eq, %arg0, %eq3A_36 : i32
    %convert_element_type3A_38 = arith.extui %eq3A_37 : i1 to i32
    %cond3A = arith.constant 0 : i32
    %cond3A_39 = arith.cmpi ne, %convert_element_type3A_38, %cond3A : i32
    scf.if %cond3A_39 {
      %broadcast_in_dim3A_51 = arith.constant 0.000000e+00 : f32
      %broadcast_in_dim3A_52 = vector.broadcast %broadcast_in_dim3A_51 : f32 to vector<64x128xf32>
      %swap3A_53 = arith.constant 0 : index
      %swap3A_54 = arith.constant 0 : index
      %swap3A_55 = vector.load %arg14[%swap3A_53, %swap3A_54] : memref<64x128xf32, #tpu.memory_space<vmem>>, vector<64x128xf32>
      tpu.vector_store %arg14[%swap3A_53, %swap3A_54], %broadcast_in_dim3A_52 {strides = array<i32>} : memref<64x128xf32, #tpu.memory_space<vmem>>, vector<64x128xf32>,
    } else {
    }
    %get3A_40 = arith.constant 0 : index
    %get3A_41 = arith.constant 0 : index
    %get3A_42 = vector.load %arg14[%get3A_40, %get3A_41] : memref<64x128xf32, #tpu.memory_space<vmem>>, vector<64x128xf32>
    %add3A_43 = arith.addf %get3A_42, %dot_general3A_35 : vector<64x128xf32>
    %swap3A = arith.constant 0 : index
    %swap3A_44 = arith.constant 0 : index
    %swap3A_45 = vector.load %arg14[%swap3A, %swap3A_44] : memref<64x128xf32, #tpu.memory_space<vmem>>, vector<64x128xf32>
    tpu.vector_store %arg14[%swap3A, %swap3A_44], %add3A_43 {strides = array<i32>} : memref<64x128xf32, #tpu.memory_space<vmem>>, vector<64x128xf32>,
    %eq3A_46 = arith.constant 9 : i32
    %eq3A_47 = arith.cmpi eq, %arg0, %eq3A_46 : i32
    %convert_element_type3A_48 = arith.extui %eq3A_47 : i1 to i32
    %cond3A_49 = arith.constant 0 : i32
    %cond3A_50 = arith.cmpi ne, %convert_element_type3A_48, %cond3A_49 : i32
    scf.if %cond3A_50 {
      %get3A_51 = arith.constant 0 : index
      %get3A_52 = arith.constant 0 : index
      %get3A_53 = vector.load %arg14[%get3A_51, %get3A_52] : memref<64x128xf32, #tpu.memory_space<vmem>>, vector<64x128xf32>
      %slice3A = vector.extract_strided_slice %get3A_53 {offsets = [0, 0], sizes = [64, 64], strides = [1, 1]} : vector<64x128xf32> to vector<64x64xf32>
      %slice3A_54 = vector.extract_strided_slice %get3A_53 {offsets = [0, 64], sizes = [64, 1], strides = [1, 1]} : vector<64x128xf32> to vector<64x1xf32>
      %max3A = arith.constant 1.000000e+00 : f32
      %max3A_55 = vector.broadcast %max3A : f32 to vector<64x1xf32>
      %max3A_56 = arith.maximumf %slice3A_54, %max3A_55 : vector<64x1xf32>
      %div3A = vector.broadcast %max3A_56 : vector<64x1xf32> to vector<64x64xf32>
      %div3A_57 = arith.divf %slice3A, %div3A : vector<64x64xf32>
      %get3A_58 = arith.constant 0 : index
      %get3A_59 = arith.constant 0 : index
      %get3A_60 = vector.load %arg7[%get3A_58, %get3A_59] : memref<64x64xf32, #tpu.memory_space<vmem>>, vector<64x64xf32>
      %convert_element_type3A_61 = arith.truncf %div3A_57 : vector<64x64xf32> to vector<64x64xbf16>
      %convert_element_type3A_62 = arith.truncf %get3A_60 : vector<64x64xf32> to vector<64x64xbf16>
      %dot_general3A_63 = arith.constant dense<0.000000e+00> : vector<64x64xf32>
      %dot_general3A_64 = tpu.matmul %convert_element_type3A_61, %convert_element_type3A_62, %dot_general3A_63 {dimension_numbers = #tpu.dot_dimension_numbers<[1], [0], [0], [1], [0, 0, 1, 1], [], []>, transpose_lhs_hint = false} : vector<64x64xbf16>, vector<64x64xbf16>, vector<64x64xf32> -> vector<64x64xf32>
      %get3A_65 = arith.constant 0 : index
      %get3A_66 = arith.constant 0 : index
      %get3A_67 = vector.load %arg8[%get3A_65, %get3A_66] : memref<1x64xf32, #tpu.memory_space<vmem>>, vector<1x64xf32>
      %add3A_68 = vector.broadcast %get3A_67 : vector<1x64xf32> to vector<64x64xf32>
      %add3A_69 = arith.addf %dot_general3A_64, %add3A_68 : vector<64x64xf32>
      %gt3A_70 = arith.constant 0.000000e+00 : f32
      %gt3A_71 = vector.broadcast %gt3A_70 : f32 to vector<64x64xf32>
      %gt3A_72 = arith.cmpf ogt, %add3A_69, %gt3A_71 : vector<64x64xf32>
      %min3A_73 = arith.constant 0.000000e+00 : f32
      %min3A_74 = vector.broadcast %min3A_73 : f32 to vector<64x64xf32>
      %min3A_75 = arith.minimumf %add3A_69, %min3A_74 : vector<64x64xf32>
      %exp3A_76 = math.exp %min3A_75 : vector<64x64xf32>
      %sub3A_77 = arith.constant 1.000000e+00 : f32
      %sub3A_78 = vector.broadcast %sub3A_77 : f32 to vector<64x64xf32>
      %sub3A_79 = arith.subf %exp3A_76, %sub3A_78 : vector<64x64xf32>
      %select_n3A_80 = arith.select %gt3A_72, %add3A_69, %sub3A_79 : vector<64x64xi1>, vector<64x64xf32>
      %get3A_81 = arith.constant 0 : index
      %get3A_82 = arith.constant 0 : index
      %get3A_83 = vector.load %arg9[%get3A_81, %get3A_82] : memref<64x32xf32, #tpu.memory_space<vmem>>, vector<64x32xf32>
      %convert_element_type3A_84 = arith.truncf %select_n3A_80 : vector<64x64xf32> to vector<64x64xbf16>
      %convert_element_type3A_85 = arith.truncf %get3A_83 : vector<64x32xf32> to vector<64x32xbf16>
      %dot_general3A_86 = arith.constant dense<0.000000e+00> : vector<64x32xf32>
      %dot_general3A_87 = tpu.matmul %convert_element_type3A_84, %convert_element_type3A_85, %dot_general3A_86 {dimension_numbers = #tpu.dot_dimension_numbers<[1], [0], [0], [1], [0, 0, 1, 1], [], []>, transpose_lhs_hint = false} : vector<64x64xbf16>, vector<64x32xbf16>, vector<64x32xf32> -> vector<64x32xf32>
      %get3A_88 = arith.constant 0 : index
      %get3A_89 = arith.constant 0 : index
      %get3A_90 = vector.load %arg10[%get3A_88, %get3A_89] : memref<1x32xf32, #tpu.memory_space<vmem>>, vector<1x32xf32>
      %add3A_91 = vector.broadcast %get3A_90 : vector<1x32xf32> to vector<64x32xf32>
      %add3A_92 = arith.addf %dot_general3A_87, %add3A_91 : vector<64x32xf32>
      %gt3A_93 = arith.constant 0.000000e+00 : f32
      %gt3A_94 = vector.broadcast %gt3A_93 : f32 to vector<64x32xf32>
      %gt3A_95 = arith.cmpf ogt, %add3A_92, %gt3A_94 : vector<64x32xf32>
      %min3A_96 = arith.constant 0.000000e+00 : f32
      %min3A_97 = vector.broadcast %min3A_96 : f32 to vector<64x32xf32>
      %min3A_98 = arith.minimumf %add3A_92, %min3A_97 : vector<64x32xf32>
      %exp3A_99 = math.exp %min3A_98 : vector<64x32xf32>
      %sub3A_100 = arith.constant 1.000000e+00 : f32
      %sub3A_101 = vector.broadcast %sub3A_100 : f32 to vector<64x32xf32>
      %sub3A_102 = arith.subf %exp3A_99, %sub3A_101 : vector<64x32xf32>
      %select_n3A_103 = arith.select %gt3A_95, %add3A_92, %sub3A_102 : vector<64x32xi1>, vector<64x32xf32>
      %get3A_104 = arith.constant 0 : index
      %get3A_105 = arith.constant 0 : index
      %get3A_106 = vector.load %arg11[%get3A_104, %get3A_105] : memref<32x1xf32, #tpu.memory_space<vmem>>, vector<32x1xf32>
      %convert_element_type3A_107 = arith.truncf %get3A_106 : vector<32x1xf32> to vector<32x1xbf16>
      %convert_element_type3A_108 = arith.truncf %select_n3A_103 : vector<64x32xf32> to vector<64x32xbf16>
      %dot_general3A_109 = arith.constant dense<0.000000e+00> : vector<1x64xf32>
      %dot_general3A_110 = tpu.matmul %convert_element_type3A_107, %convert_element_type3A_108, %dot_general3A_109 {dimension_numbers = #tpu.dot_dimension_numbers<[0], [1], [1], [0], [0, 1, 1, 0], [], []>, transpose_lhs_hint = false} : vector<32x1xbf16>, vector<64x32xbf16>, vector<1x64xf32> -> vector<1x64xf32>
      %get3A_111 = arith.constant 0 : index
      %get3A_112 = arith.constant 0 : index
      %get3A_113 = vector.load %arg12[%get3A_111, %get3A_112] : memref<1x1xf32, #tpu.memory_space<vmem>>, vector<1x1xf32>
      %add3A_114 = vector.broadcast %get3A_113 : vector<1x1xf32> to vector<1x64xf32>
      %add3A_115 = arith.addf %dot_general3A_110, %add3A_114 : vector<1x64xf32>
      %swap3A_116 = arith.constant 0 : index
      %swap3A_117 = arith.constant 0 : index
      %swap3A_118 = vector.load %arg13[%swap3A_116, %swap3A_117] : memref<1x64xf32, #tpu.memory_space<vmem>>, vector<1x64xf32>
      tpu.vector_store %arg13[%swap3A_116, %swap3A_117], %add3A_115 {strides = array<i32>} : memref<1x64xf32, #tpu.memory_space<vmem>>, vector<1x64xf32>,
    } else {
    }
    return
  }
  func.func @transform_0(%arg0: i32) -> (i32, i32) {
    %c0_i32 = arith.constant 0 : i32
    %c0_i32_0 = arith.constant 0 : i32
    return %arg0, %c0_i32 : i32, i32
  }
  func.func @transform_1(%arg0: i32) -> (i32, i32) {
    %c0_i32 = arith.constant 0 : i32
    %c0_i32_0 = arith.constant 0 : i32
    return %arg0, %c0_i32 : i32, i32
  }
  func.func @transform_2(%arg0: i32) -> (i32, i32) {
    %c0_i32 = arith.constant 0 : i32
    %c0_i32_0 = arith.constant 0 : i32
    return %arg0, %c0_i32 : i32, i32
  }
  func.func @transform_3(%arg0: i32) -> (i32, i32) {
    %c0_i32 = arith.constant 0 : i32
    %c0_i32_0 = arith.constant 0 : i32
    %c0_i32_1 = arith.constant 0 : i32
    return %c0_i32, %c0_i32_0 : i32, i32
  }
  func.func @transform_4(%arg0: i32) -> (i32, i32) {
    %c0_i32 = arith.constant 0 : i32
    %c0_i32_0 = arith.constant 0 : i32
    %c0_i32_1 = arith.constant 0 : i32
    return %c0_i32, %c0_i32_0 : i32, i32
  }
  func.func @transform_5(%arg0: i32) -> (i32, i32) {
    %c0_i32 = arith.constant 0 : i32
    %c0_i32_0 = arith.constant 0 : i32
    return %arg0, %c0_i32 : i32, i32
  }
  func.func @transform_6(%arg0: i32) -> (i32, i32) {
    %c0_i32 = arith.constant 0 : i32
    %c0_i32_0 = arith.constant 0 : i32
    %c0_i32_1 = arith.constant 0 : i32
    return %c0_i32, %c0_i32_0 : i32, i32
  }
  func.func @transform_7(%arg0: i32) -> (i32, i32) {
    %c0_i32 = arith.constant 0 : i32
    %c0_i32_0 = arith.constant 0 : i32
    %c0_i32_1 = arith.constant 0 : i32
    return %c0_i32, %c0_i32_0 : i32, i32
  }
  func.func @transform_8(%arg0: i32) -> (i32, i32) {
    %c0_i32 = arith.constant 0 : i32
    %c0_i32_0 = arith.constant 0 : i32
    %c0_i32_1 = arith.constant 0 : i32
    return %c0_i32, %c0_i32_0 : i32, i32
  }
  func.func @transform_9(%arg0: i32) -> (i32, i32) {
    %c0_i32 = arith.constant 0 : i32
    %c0_i32_0 = arith.constant 0 : i32
    %c0_i32_1 = arith.constant 0 : i32
    return %c0_i32, %c0_i32_0 : i32, i32
  }
  func.func @transform_10(%arg0: i32) -> (i32, i32) {
    %c0_i32 = arith.constant 0 : i32
    %c0_i32_0 = arith.constant 0 : i32
    %c0_i32_1 = arith.constant 0 : i32
    return %c0_i32, %c0_i32_0 : i32, i32
  }
  func.func @transform_11(%arg0: i32) -> (i32, i32) {
    %c0_i32 = arith.constant 0 : i32
    %c0_i32_0 = arith.constant 0 : i32
    %c0_i32_1 = arith.constant 0 : i32
    return %c0_i32, %c0_i32_0 : i32, i32
  }
  func.func @transform_12(%arg0: i32) -> (i32, i32) {
    %c0_i32 = arith.constant 0 : i32
    %c0_i32_0 = arith.constant 0 : i32
    %c0_i32_1 = arith.constant 0 : i32
    return %c0_i32, %c0_i32_0 : i32, i32
  }
}

</mosaic_0001>

<sc_bundles>
// kernel: kernel.11.cloned.1.call-start
scs
__scs_entry_jumppad:
0x0: {  	(pc) =	sbr.rel $0x88, $3  }
0x1: {  	(tag) =	ssettag $0x0;
	lr =	simm.s32 $0x1  }
0x2: {  	[smem:$0x3F92] =	sst lr;
	_ =	strace $0xD0000000  }
0x3: {  	_ = 	snop  }
0x4: {  	_ = 	snop  }
0x5: {  	_ = 	snop  }
0x6: {  	_ = 	snop  }
0x7: {  	_ = 	snop  }
__scs_overlays_trampoline_lowered:
0x8: {  	[smem:$0x3FA1] =	sst s0  }
0x9: {  	[smem:$0x3FA2] =	sst s1  }
0xa: {  	[smem:$0x3FA3] =	sst s2  }
0xb: {  	[smem:$0x3FA4] =	sst s3  }
0xc: {  	[smem:$0x3FA5] =	sst s4  }
0xd: {  	[smem:$0x3FA6] =	sst s5  }
0xe: {  	[smem:$0x3FA7] =	sst s6  }
0xf: {  	[smem:$0x3FA8] =	sst s7  }
0x10: {  	[smem:$0x3FA9] =	sst s8  }
0x11: {  	[smem:$0x3FAA] =	sst s9;
	s0 =	simm.s32 @!p0 $0x0  }
0x12: {  	s1 =	sld [smem:$0x3F90];
	s0 =	simm.s32 @p0 $0x1  }
0x13: {  	[smem:$0x3FAB] =	sst s0;
	s0 =	simm.s32 @!p1 $0x0  }
0x14: {  	s2 =	sld [smem:$0x3F8F];
	s0 =	simm.s32 @p1 $0x1  }
0x15: {  	[smem:$0x3FAC] =	sst s0;
	s0 =	simm.s32 @!p2 $0x0  }
0x16: {  	s3 =	sld [smem:$0x3FDB];
	s0 =	simm.s32 @p2 $0x1  }
0x17: {  	s4 =	simm.s32 $0x1BF5;
	[smem:$0x3FAE] =	sst s0  }
0x18: {  	s0 =	sld [smem:$0x3F91];
	_ =	swait.ge [sflag:s4], $0x0  }
0x19: {  	s7 =	sld [smem:$0x3F92]  }
0x1a: {  	s8 =	sadd.s32 $0xFFFFE003, lr  }
0x1b: {  	s9 =	sadd.s32 $0xFFFFFEF7, lr;
	s5 =	simm.s32 $0xFFFFFFFF;
	p2 =	slt.u32 s8, $0xFFFFF086  }
0x1c: {  	p1 =	slt.u32 s9, $0xF7A;
	s5 =	simm.s32 @!p2 $0x0  }
0x1d: {  	s5 =	simm.s32 @p1 $0x1;
	p0 =	seq.s32 s7, s2  }
0x1e: {  	s7 =	smul.u32 @!p0 $0xF7A, s2;
	p2 =	seq.s32 @!p0 s5, $0x0  }
0x1f: {  	s9 =	smul.u32 $0xF7A, s1;
	s8 =	simm.s32 @!p0 $0x1BF5;
	p2 =	por !p2, p0  }
0x20: {  	[sflag:s8] =	ssyncset.s32 @!p0 $0xFFFFF086;
	s6 =	sadd.s32 @!p0 s3, s7;
	s7 =	simm.s32 @!p0 $0x108  }
0x21: {  	s3 =	sadd.s32 s3, s9;
	s6 =	sadd.s32 @!p0 $0x88, s6;
	s7 =	simm.s32 @p2 $0x1082  }
0x22: {  	[simem:s7], [sflag:s8] =	dma.local @!p0 [hbm:s6], $0xF7A  }
0x23: {  	s9 =	sor.u32 $0xD0000000, s2;
	s6 =	simm.s32 $0x108;
	_ =	swait.ge @!p0 [sflag:s8], $0x0  }
0x24: {  	s3 =	sadd.s32 $0x88, s3;
	s6 =	simm.s32 @!p1 $0x1082;
	[sflag:s4] =	ssyncset.s32 $0xFFFFF086  }
0x25: {  	[simem:s6], [sflag:s4] =	dma.local [hbm:s3], $0xF7A  }
0x26: {  	[smem:$0x3F92] =	sst s1;
	(tag) =	ssettag s2;
	_ =	strace s9  }
0x27: {  	s1 =	sld [smem:$0x3FA2]  }
0x28: {  	s2 =	sld [smem:$0x3FA3]  }
0x29: {  	s4 =	sld [smem:$0x3FA5]  }
0x2a: {  	p0 =	seq.s32 s5, $0x0;
	s5 =	sld [smem:$0x3FA6]  }
0x2b: {  	s6 =	sld [smem:$0x3FA7]  }
0x2c: {  	s7 =	sld [smem:$0x3FA8]  }
0x2d: {  	s3 =	simm.s32 $0x108;
	s8 =	sld [smem:$0x3FA9]  }
0x2e: {  	s3 =	simm.s32 @!p0 $0x1082;
	s9 =	sld [smem:$0x3FAA]  }
0x2f: {  	lr =	sadd.s32 s0, s3;
	s0 =	sld [smem:$0x3FA1]  }
0x30: {  	s3 =	sld [smem:$0x3FA4]  }
0x31: {  	[smem:$0x3FAD] =	sst s10  }
0x32: {  	s10 =	sld [smem:$0x3FAB];
	_ =	sdelay $0x3  }
0x33: {  	p0 =	seq.s32 s10, $0x1;
	s10 =	sld [smem:$0x3FAD];
	_ =	sdelay $0x3  }
0x34: {  	[smem:$0x3FAD] =	sst s10  }
0x35: {  	s10 =	sld [smem:$0x3FAC];
	_ =	sdelay $0x3  }
0x36: {  	p1 =	seq.s32 s10, $0x1;
	s10 =	sld [smem:$0x3FAD];
	_ =	sdelay $0x3  }
0x37: {  	[smem:$0x3FAD] =	sst s10  }
0x38: {  	s10 =	sld [smem:$0x3FAE]  }
0x39: {  	_ = 	snop;
	(pc) =	sbr.ind lr, $3  }
0x3a: {  	_ = 	snop  }
0x3b: {  	_ = 	snop  }
0x3c: {  	p2 =	seq.s32 s10, $0x1;
	s10 =	sld [smem:$0x3FAD]  }
0x3d: {  	_ =	shalt  }
0x3e: {  	_ =	shalt  }
0x3f: {  	_ =	shalt  }
0x40: {  	_ =	shalt  }
0x41: {  	_ =	shalt  }
0x42: {  	_ =	shalt  }
0x43: {  	_ =	shalt  }
0x44: {  	_ =	shalt  }
0x45: {  	_ =	shalt  }
0x46: {  	_ =	shalt  }
0x47: {  	_ =	shalt  }
0x48: {  	_ =	shalt  }
0x49: {  	_ =	shalt  }
0x4a: {  	_ =	shalt  }
0x4b: {  	_ =	shalt  }
0x4c: {  	_ =	shalt  }
0x4d: {  	_ =	shalt  }
0x4e: {  	_ =	shalt  }
0x4f: {  	_ =	shalt  }
0x50: {  	_ =	shalt  }
0x51: {  	_ =	shalt  }
0x52: {  	_ =	shalt  }
0x53: {  	_ =	shalt  }
0x54: {  	_ =	shalt  }
0x55: {  	_ =	shalt  }
0x56: {  	_ =	shalt  }
0x57: {  	_ =	shalt  }
0x58: {  	_ =	shalt  }
0x59: {  	_ =	shalt  }
0x5a: {  	_ =	shalt  }
0x5b: {  	_ =	shalt  }
0x5c: {  	_ =	shalt  }
0x5d: {  	_ =	shalt  }
0x5e: {  	_ =	shalt  }
0x5f: {  	_ =	shalt  }
0x60: {  	_ =	shalt  }
0x61: {  	_ =	shalt  }
0x62: {  	_ =	shalt  }
0x63: {  	_ =	shalt  }
0x64: {  	_ =	shalt  }
0x65: {  	_ =	shalt  }
0x66: {  	_ =	shalt  }
0x67: {  	_ =	shalt  }
0x68: {  	_ =	shalt  }
0x69: {  	_ =	shalt  }
0x6a: {  	_ =	shalt  }
0x6b: {  	_ =	shalt  }
0x6c: {  	_ =	shalt  }
0x6d: {  	_ =	shalt  }
0x6e: {  	_ =	shalt  }
0x6f: {  	_ =	shalt  }
0x70: {  	_ =	shalt  }
0x71: {  	_ =	shalt  }
0x72: {  	_ =	shalt  }
0x73: {  	_ =	shalt  }
0x74: {  	_ =	shalt  }
0x75: {  	_ =	shalt  }
0x76: {  	_ =	shalt  }
0x77: {  	_ =	shalt  }
0x78: {  	_ =	shalt  }
0x79: {  	_ =	shalt  }
0x7a: {  	_ =	shalt  }
0x7b: {  	_ =	shalt  }
0x7c: {  	_ =	shalt  }
0x7d: {  	_ =	shalt  }
0x7e: {  	_ =	shalt  }
0x7f: {  	_ =	shalt  }
0x80: {  	_ =	shalt  }
0x81: {  	_ =	shalt  }
0x82: {  	_ =	shalt  }
0x83: {  	_ =	shalt  }
0x84: {  	_ =	shalt  }
0x85: {  	_ =	shalt  }
0x86: {  	_ =	shalt  }
0x87: {  	_ =	shalt  }
.Lfunc_end0:
.L_simem_size_0:
called_computation.1_lowered:
.L_overlay_start_0:
0x88: {  	s2 =	sld [smem:$0x3FD9]  }
0x89: {  	s3 =	sld [smem:$0x3FFE];
	_ =	sdelay $0x1  }
0x8a: {  	s1 =	srdreg.scid  }
0x8b: {  	s0 =	sand.u32 $0x1, s1  }
0x8c: {  	s16 =	sshll.u32 s0, $0xA;
	s2 =	sadd.s32 s3, s2  }
0x8d: {  	s2 =	sadd.s32 s2, s16  }
0x8e: {  	[smem:$0x3FB9] =	sst s2  }
0x8f: {  	_ = 	snop  }
0x90: {  	(tm) =	ssettm $0x1  }
0x91: {  	s17 =	sld [smem:$0x3FFB];
	_ =	sdelay $0x3  }
0x92: {  	_ =	strace s17  }
0x93: {  	s2 =	sld [smem:$0x3FFC];
	_ =	sdelay $0x3  }
0x94: {  	_ =	strace s2  }
0x95: {  	s2 =	sld [smem:$0x3FFD];
	_ =	sdelay $0x3  }
0x96: {  	_ =	strace s2  }
0x97: {  	_ =	strace $0x8FFFFFFF  }
0x98: {  	s18 =	sld [smem:$0x3FDB];
	_ =	sdelay $0x1  }
0x99: {  	s19 =	simm.s32 $_scs_section_size  }
0x9a: {  	s4 =	simm.s32 $_size__tile_overlayer_lowered;
	s5 =	simm.s32 $_tile_overlayer_lowered  }
0x9b: {  	s22 =	simm.s32 $0x1BFF;
	s21 =	sshll.u32 s5, $0x1;
	s2 =	sadd.s32 s19, s18  }
0x9c: {  	s6 =	simm.s32 $0x0;
	s20 =	sshll.u32 s4, $0x1;
	s4 =	sadd.s32 s21, s2  }
0x9d: {  	[timem:s6], [sflag:s22] =	dma.local [hbm:s4], s20  }
0x9e: {  	_ =	swait.ge [sflag:s22], s20  }
0x9f: {  	s3 =	ssub.s32 $0x0, s20;
	[sflag:s22] =	ssyncset.done $0x0  }
0xa0: {  	[sflag:s22] =	ssyncadd.s32 s3;
	_ =	sdelay $0x1  }
0xa1: {  	s23 =	simm.s32 $0x1B8B  }
0xa2: {  	_ =	swait.ge [sflag:s23], $0x1  }
0xa3: {  	[sflag:s23] =	ssyncset.done $0x0  }
0xa4: {  	s25 =	simm.s32 $0x1B8E;
	s24 =	sld [smem:$0x3FFE];
	[sflag:s23] =	ssyncadd.s32 $0xFFFFFFFF  }
0xa5: {  	s26 =	simm.s32 $execute0_lowered;
	[smem:$0x3FD2] =	sst s25  }
0xa6: {  	s4 =	sshll.u32 s26, $0x1;
	_ =	strace $0x80000049;
	[dreg:$0x1] =	wrdreg $0xFFFFFFFF  }
0xa7: {  	s28 =	simm.s32 $_size_execute0_lowered;
	s2 =	sadd.s32 s2, s4;
	[dreg:$0x0] =	wrdreg $0x0  }
0xa8: {  	s4 =	sshll.u32 s28, $0x1;
	[dreg:$0x2] =	wrdreg s2  }
0xa9: {  	[dreg:$0x3] =	wrdreg s4  }
0xaa: {  	[dreg:$0x4] =	wrdreg $0xC0  }
0xab: {  	_ =	task [dreg:s6], $0x5FFFF  }
0xac: {  	[dreg:$0x1] =	wrdreg $0xFFFFFFFF  }
0xad: {  	[dreg:$0x0] =	wrdreg $0x60  }
0xae: {  	[dreg:$0x2] =	wrdreg s24  }
0xaf: {  	[dreg:$0x3] =	wrdreg $0x0  }
0xb0: {  	[dreg:$0x4] =	wrdreg $0x9  }
0xb1: {  	_ =	task.clear_ibuf [dreg:s6], $0x5FFFF;
	_ =	strace $0x90000049  }
0xb2: {  	s29 =	simm.s32 $0x9;
	_ =	strace $0x8000004B  }
0xb3: {  	_ =	swait.ge [sflag:s29], $0x1  }
0xb4: {  	[sflag:s29] =	ssyncadd.s32 $0xFFFFFFFF  }
0xb5: {  	_ =	strace $0x9000004B  }
0xb6: {  	_ =	sfence  }
0xb7: {  	s30 =	sld [smem:$0x0];
	_ =	sdelay $0x2  }
0xb8: {  	s31 =	sshll.u32 s1, $0xD;
	s1 =	sshrl.u32 s1, $0x2  }
0xb9: {  	s3 =	sand.u32 $0x4000, s31;
	s1 =	sadd.s32 s1, s30  }
0xba: {  	s0 =	sor.u32 s3, s0;
	s1 =	sshll.u32 s1, $0x11  }
0xbb: {  	s0 =	sor.u32 s1, s0  }
0xbc: {  	s0 =	sadd.s32 $0x8F2B, s0  }
0xbd: {  	[sflag:s0] =	ssyncadd.remote.s32 $0x1  }
0xbe: {  	_ =	sfence.sel $0xFFFF  }
0xbf: {  	[dreg:$0x0] =	wrdreg $0xFFFFFFFF;
	(pc) =	sbr.abs _section_cstart, $3  }
0xc0: {  	[dreg:$0x1] =	wrdreg $0xFFFFFFFF  }
0xc1: {  	_ =	task.clear_ibuf [dreg:s6], $0x2FFFF;
	_ =	strace $0x9FFFFFFF  }
0xc2: {  	(tm) =	ssettm $0x7FFFFFFF  }
0xc3: {  	_ =	shalt  }
tec
execute0_lowered:
.L_overlay_start_1:
0x0: {  	(tag) =	ssettag $0x1  }
0x1: {  	s6 =	rddreg [dreg:$0x0]  }
0x2: {  	s0 =	srdreg.scid;
	s2 =	rddreg [dreg:$0x1]  }
0x3: {  	s3 =	simm.s32 $0x0;
	s12 =	simm.s32 $0x7530;
	s15 =	simm.s32 $0x190  }
0x4: {  	s16 =	simm.s32 $0x9C40;
	s17 =	simm.s32 $0xCE40;
	s18 =	simm.s32 $0x1  }
0x5: {  	s19 =	simm.s32 $0x4;
	s20 =	simm.s32 $0x2;
	s21 =	simm.s32 $0x9AB0  }
0x6: {  	s22 =	simm.s32 $0x0;
	s5 =	sand.u32 $0x1, s0;
	s0 =	stileid.u32  }
0x7: {  	[smem:$0x7FF] =	sst s3;
	s4 =	sadd.s32 $0x16600, s6;
	s8 =	smul.u32 $0x7D00, s0  }
0x8: {  	s1 =	sshll.u32 s5, $0x4;
	s9 =	smul.u32 $0x4E200, s5;
	s5 =	ssub.s32 $0x2, s5  }
0x9: {  	p0 =	sgt.u32 s0, $0x9;
	s1 =	sor.u32 s0, s1;
	s11 =	sshrl.u32 s5, $0x1  }
0xa: {  	s13 =	sshll.u32 @!p0 s0, $0x6;
	s7 =	smul.u32 $0x4E2, s1;
	s1 =	rddreg [dreg:$0x2]  }
0xb: {  	_ =	strace $0x8000004A;
	s9 =	sadd.s32 s8, s9;
	s10 =	sshrl.u32 s8, $0x3  }
0xc: {  	s11 =	ssub.s32 s5, s11;
	s14 =	sadd.s32 s8, s2;
	s13 =	sor.u32 @!p0 $0x1C03, s13  }
0xd: {  	s9 =	sshrl.u32 s9, $0x3;
	s10 =	sadd.s32 s10, s6;
	s7 =	sadd.s32 s7, s6  }
0xe: {  	s14 =	sshrl.u32 @!p0 s14, $0x3;
	s9 =	sadd.s32 s9, s6;
	s5 =	sadd.s32 $0xC800, s7  }
0xf: {  	s6 =	sadd.s32 $0x2A00, s7;
	s7 =	sadd.s32 $0x20400, s10;
	s8 =	sadd.s32 $0x2A200, s9  }
0x10: {  	s9 =	smax.u32 s11, $0x1;
	s10 =	simm.s32 $0x4E20;
	s11 =	simm.s32 $0x3  }
.LBB2_1:
0x11: {  	[tilespmem:s10], [sflag:$0x3] =	stream.linear.gather [hbm4b:s5+s3], $0x2710, $0x38;
	[tilespmem:$0x10040] =	vst v63  }
0x12: {  	_ =	swait.ge [sflag:s11], $0x2710  }
0x13: {  	[sflag:s11] =	ssyncset.done $0x0  }
0x14: {  	[sflag:s11] =	ssyncadd.s32 $0xFFFFD8F0  }
0x15: {  	[tilespmem:s12], [sflag:$0x3] =	stream.linear.gather [hbm4b:s6+s3], $0x2710, $0x38;
	[tilespmem:$0x10040] =	vst v63  }
0x16: {  	_ =	swait.ge [sflag:s11], $0x2710  }
0x17: {  	[sflag:s11] =	ssyncset.done $0x0  }
0x18: {  	s23 =	simm.s32 @!p0 $0x3;
	[sflag:s11] =	ssyncadd.s32 $0xFFFFD8F0  }
0x19: {  	[spmem:s14], [sflag:s13] =	dma.local @!p0 [hbm:s7], $0xFA0  }
0x1a: {  	_ =	swait.ge @!p0 [sflag:s23], $0xFA0  }
0x1b: {  	[sflag:s23] =	ssyncset.done @!p0 $0x0  }
0x1c: {  	[sflag:s23] =	ssyncadd.s32 @!p0 $0xFFFFF060  }
0x1d: {  	[bflag:$0x0] =	sbarrier.arrive $0xFFFF  }
0x1e: {  	[tilespmem:s16], [sflag:$0x1] =	stream.indirect.gather [hbm4b:s4+s15], $0x20, s10, s15, $0xb8;
	[tilespmem:$0x10040] =	vst v63  }
0x1f: {  	s28 =	simm.s32 $0x4FB0  }
0x20: {  	[tilespmem:s17], [sflag:$0x2] =	stream.indirect.gather [hbm4b:s4+s15], $0x20, s28, s15, $0xb8;
	[tilespmem:$0x10040] =	vst v63  }
0x21: {  	_ =	swait.ge [sflag:s18], $0x3200  }
0x22: {  	[sflag:s18] =	ssyncset.done $0x0  }
0x23: {  	s29 =	simm.s32 $0x7530;
	[sflag:s18] =	ssyncadd.s32 $0xFFFFCE00  }
0x24: {  	[spmem:s2] =	stream.indirect.scatter.add.f32 [tilespmem:s16], [sflag:$0x4], $0x20, s29, s15, $0xb8;
	[tilespmem:$0x10040] =	vst v63  }
0x25: {  	_ =	swait.ge [sflag:s19], $0x3200  }
0x26: {  	[sflag:s19] =	ssyncset.done $0x0  }
0x27: {  	s30 =	simm.s32 $0x5140;
	[sflag:s19] =	ssyncadd.s32 $0xFFFFCE00  }
0x28: {  	[tilespmem:s16], [sflag:$0x1] =	stream.indirect.gather [hbm4b:s4+s15], $0x20, s30, s15, $0xb8;
	[tilespmem:$0x10040] =	vst v63  }
0x29: {  	_ =	swait.ge [sflag:s20], $0x3200  }
0x2a: {  	[sflag:s20] =	ssyncset.done $0x0  }
0x2b: {  	s31 =	simm.s32 $0x76C0;
	[sflag:s20] =	ssyncadd.s32 $0xFFFFCE00  }
0x2c: {  	[spmem:s2] =	stream.indirect.scatter.add.f32 [tilespmem:s17], [sflag:$0x3], $0x20, s31, s15, $0xb8;
	[tilespmem:$0x10040] =	vst v63  }
0x2d: {  	_ =	swait.ge [sflag:s11], $0x3200  }
0x2e: {  	s24 =	simm.s32 $0x1900;
	s23 =	simm.s32 $0x320;
	[sflag:s11] =	ssyncset.done $0x0  }
.LBB2_2:
0x2f: {  	s25 =	sadd.s32 $0x4FB0, s23  }
0x30: {  	[sflag:s11] =	ssyncadd.s32 $0xFFFFCE00;
	s26 =	smov.u32 s24;
	s28 =	sadd.s32 $0xC80, s24  }
0x31: {  	[tilespmem:s17], [sflag:$0x2] =	stream.indirect.gather [hbm4b:s4+s15], $0x20, s25, s15, $0xb8;
	[tilespmem:$0x10040] =	vst v63  }
0x32: {  	p1 =	sne.s32 s24, $0x8980;
	_ =	swait.ge [sflag:s18], $0x3200  }
0x33: {  	[sflag:s18] =	ssyncset.done $0x0  }
0x34: {  	s24 =	sadd.s32 $0x7530, s23;
	[sflag:s18] =	ssyncadd.s32 $0xFFFFCE00  }
0x35: {  	[spmem:s2] =	stream.indirect.scatter.add.f32 [tilespmem:s16], [sflag:$0x4], $0x20, s24, s15, $0xb8;
	[tilespmem:$0x10040] =	vst v63  }
0x36: {  	_ =	swait.ge [sflag:s19], $0x3200  }
0x37: {  	[sflag:s19] =	ssyncset.done $0x0  }
0x38: {  	s24 =	sadd.s32 $0x5140, s23;
	[sflag:s19] =	ssyncadd.s32 $0xFFFFCE00  }
0x39: {  	[tilespmem:s16], [sflag:$0x1] =	stream.indirect.gather [hbm4b:s4+s15], $0x20, s24, s15, $0xb8;
	[tilespmem:$0x10040] =	vst v63  }
0x3a: {  	_ =	swait.ge [sflag:s20], $0x3200  }
.Ltmp0:
0x3b: {  	[sflag:s20] =	ssyncset.done $0x0;
	(pc) =	sbr.rel @p1 .LBB2_2-.Ltmp0, $4  }
0x3c: {  	s23 =	sadd.s32 $0x76C0, s23;
	[sflag:s20] =	ssyncadd.s32 $0xFFFFCE00  }
0x3d: {  	[spmem:s2] =	stream.indirect.scatter.add.f32 [tilespmem:s17], [sflag:$0x3], $0x20, s23, s15, $0xb8;
	[tilespmem:$0x10040] =	vst v63  }
0x3e: {  	_ =	swait.ge [sflag:s11], $0x3200  }
0x3f: {  	s24 =	smov.u32 s28;
	s23 =	sshra.s32 s26, $0x2;
	[sflag:s11] =	ssyncset.done $0x0  }
0x40: {  	s24 =	sadd.s32 $0x4FB0, s23;
	[sflag:s11] =	ssyncadd.s32 $0xFFFFCE00  }
0x41: {  	[tilespmem:s17], [sflag:$0x2] =	stream.indirect.gather [hbm4b:s4+s15], $0x20, s24, s15, $0xb8;
	[tilespmem:$0x10040] =	vst v63  }
0x42: {  	_ =	swait.ge [sflag:s18], $0x3200  }
0x43: {  	[sflag:s18] =	ssyncset.done $0x0  }
0x44: {  	s29 =	sadd.s32 $0x7530, s23;
	[sflag:s18] =	ssyncadd.s32 $0xFFFFCE00  }
0x45: {  	[spmem:s2] =	stream.indirect.scatter.add.f32 [tilespmem:s16], [sflag:$0x4], $0x20, s29, s15, $0xb8;
	[tilespmem:$0x10040] =	vst v63  }
0x46: {  	_ =	swait.ge [sflag:s19], $0x3200  }
0x47: {  	[sflag:s19] =	ssyncset.done $0x0  }
0x48: {  	s30 =	sadd.s32 $0x5140, s23;
	[sflag:s19] =	ssyncadd.s32 $0xFFFFCE00  }
0x49: {  	[tilespmem:s16], [sflag:$0x1] =	stream.indirect.gather [hbm4b:s4+s15], $0x20, s30, s15, $0xb8;
	[tilespmem:$0x10040] =	vst v63  }
0x4a: {  	_ =	swait.ge [sflag:s20], $0x3200  }
0x4b: {  	[sflag:s20] =	ssyncset.done $0x0  }
0x4c: {  	s31 =	sadd.s32 $0x76C0, s23;
	[sflag:s20] =	ssyncadd.s32 $0xFFFFCE00  }
0x4d: {  	[spmem:s2] =	stream.indirect.scatter.add.f32 [tilespmem:s17], [sflag:$0x3], $0x20, s31, s15, $0xb8;
	[tilespmem:$0x10040] =	vst v63  }
0x4e: {  	_ =	swait.ge [sflag:s11], $0x3200  }
0x4f: {  	[sflag:s11] =	ssyncset.done $0x0  }
0x50: {  	[sflag:s11] =	ssyncadd.s32 $0xFFFFCE00  }
0x51: {  	_ =	swait.ge [sflag:s18], $0x3200  }
0x52: {  	[sflag:s18] =	ssyncset.done $0x0  }
0x53: {  	[sflag:s18] =	ssyncadd.s32 $0xFFFFCE00  }
0x54: {  	[spmem:s2] =	stream.indirect.scatter.add.f32 [tilespmem:s16], [sflag:$0x4], $0x20, s21, s15, $0xb8;
	[tilespmem:$0x10040] =	vst v63  }
0x55: {  	_ =	swait.ge [sflag:s19], $0x3200  }
0x56: {  	s22 =	sadd.s32 $0x1, s22;
	[sflag:s19] =	ssyncset.done $0x0  }
0x57: {  	p1 =	sne.s32 s22, s9;
	[sflag:s19] =	ssyncadd.s32 $0xFFFFCE00  }
.Ltmp1:
0x58: {  	s23 =	simm.s32 @!p0 $0x3;
	[bflag:$0x0] =	sbarrier.arrive $0xFFFF;
	(pc) =	sbr.rel @p1 .LBB2_1-.Ltmp1, $4  }
0x59: {  	[hbm:s8], [sflag:s13] =	dma.local @!p0 [spmem:s14], $0xFA0  }
0x5a: {  	_ =	swait.ge @!p0 [sflag:s23], $0xFA0  }
0x5b: {  	[sflag:s23] =	ssyncset.done @!p0 $0x0  }
0x5c: {  	[sflag:s23] =	ssyncadd.s32 @!p0 $0xFFFFF060  }
0x5d: {  	_ =	sfence.sel $0x180000  }
0x5e: {  	[bflag:$0x0] =	sbarrier.arrive $0xFFFF  }
0x5f: {  	p0 =	sne.s32 s0, $0x0;
	_ =	strace $0x9000004A  }
0x60: {  	s0 =	sadd.s32 @!p0 $0x100000, s1;
	[bflag:$0x2] =	sbarrier.arrive $0xFFFF  }
0x61: {  	[sflag:s0] =	ssyncadd.tile.s32 @!p0 $0x1;
	_ =	shalt  }
.Lfunc_end2:
_tile_overlayer_lowered:
.L_overlay_start_2:
0x62: {  	(tag) =	ssettag $0x2  }
0x63: {  	s0 =	rddreg [dreg:$0x0];
	s2 =	stileid.u32  }
0x64: {  	s1 =	rddreg [dreg:$0x1];
	p0 =	sne.s32 s2, $0x0  }
0x65: {  	s3 =	rddreg [dreg:$0x2];
	[bflag:$0x3] =	sbarrier.arrive $0xFFFF;
	s2 =	simm.s32 @!p0 $0x1C03  }
0x66: {  	[timem:s3], [sflag:s2] =	dma.local @!p0 [hbm:s0], s1  }
0x67: {  	s0 =	simm.s32 @!p0 $0x3  }
0x68: {  	_ =	swait.ge @!p0 [sflag:s0], s1  }
0x69: {  	s1 =	ssub.s32 @!p0 $0x0, s1;
	[sflag:s0] =	ssyncset.done @!p0 $0x0  }
0x6a: {  	[sflag:s0] =	ssyncadd.s32 @!p0 s1  }
0x6b: {  	[bflag:$0x3] =	sbarrier.arrive $0xFFFF  }
0x6c: {  	_ =	shalt  }

// kernel: kernel.14.cloned.1.call-start
scs
__scs_entry_jumppad:
0x0: {  	(pc) =	sbr.rel $0x88, $3  }
0x1: {  	(tag) =	ssettag $0x0;
	lr =	simm.s32 $0x1  }
0x2: {  	[smem:$0x3F92] =	sst lr;
	_ =	strace $0xD0000000  }
0x3: {  	_ = 	snop  }
0x4: {  	_ = 	snop  }
0x5: {  	_ = 	snop  }
0x6: {  	_ = 	snop  }
0x7: {  	_ = 	snop  }
__scs_overlays_trampoline_lowered:
0x8: {  	[smem:$0x3FA1] =	sst s0  }
0x9: {  	[smem:$0x3FA2] =	sst s1  }
0xa: {  	[smem:$0x3FA3] =	sst s2  }
0xb: {  	[smem:$0x3FA4] =	sst s3  }
0xc: {  	[smem:$0x3FA5] =	sst s4  }
0xd: {  	[smem:$0x3FA6] =	sst s5  }
0xe: {  	[smem:$0x3FA7] =	sst s6  }
0xf: {  	[smem:$0x3FA8] =	sst s7  }
0x10: {  	[smem:$0x3FA9] =	sst s8  }
0x11: {  	[smem:$0x3FAA] =	sst s9;
	s0 =	simm.s32 @!p0 $0x0  }
0x12: {  	s1 =	sld [smem:$0x3F90];
	s0 =	simm.s32 @p0 $0x1  }
0x13: {  	[smem:$0x3FAB] =	sst s0;
	s0 =	simm.s32 @!p1 $0x0  }
0x14: {  	s2 =	sld [smem:$0x3F8F];
	s0 =	simm.s32 @p1 $0x1  }
0x15: {  	[smem:$0x3FAC] =	sst s0;
	s0 =	simm.s32 @!p2 $0x0  }
0x16: {  	s3 =	sld [smem:$0x3FDB];
	s0 =	simm.s32 @p2 $0x1  }
0x17: {  	s4 =	simm.s32 $0x1BF5;
	[smem:$0x3FAE] =	sst s0  }
0x18: {  	s0 =	sld [smem:$0x3F91];
	_ =	swait.ge [sflag:s4], $0x0  }
0x19: {  	s7 =	sld [smem:$0x3F92]  }
0x1a: {  	s8 =	sadd.s32 $0xFFFFE003, lr  }
0x1b: {  	s9 =	sadd.s32 $0xFFFFFEF7, lr;
	s5 =	simm.s32 $0xFFFFFFFF;
	p2 =	slt.u32 s8, $0xFFFFF086  }
0x1c: {  	p1 =	slt.u32 s9, $0xF7A;
	s5 =	simm.s32 @!p2 $0x0  }
0x1d: {  	s5 =	simm.s32 @p1 $0x1;
	p0 =	seq.s32 s7, s2  }
0x1e: {  	s7 =	smul.u32 @!p0 $0xF7A, s2;
	p2 =	seq.s32 @!p0 s5, $0x0  }
0x1f: {  	s9 =	smul.u32 $0xF7A, s1;
	s8 =	simm.s32 @!p0 $0x1BF5;
	p2 =	por !p2, p0  }
0x20: {  	[sflag:s8] =	ssyncset.s32 @!p0 $0xFFFFF086;
	s6 =	sadd.s32 @!p0 s3, s7;
	s7 =	simm.s32 @!p0 $0x108  }
0x21: {  	s3 =	sadd.s32 s3, s9;
	s6 =	sadd.s32 @!p0 $0x88, s6;
	s7 =	simm.s32 @p2 $0x1082  }
0x22: {  	[simem:s7], [sflag:s8] =	dma.local @!p0 [hbm:s6], $0xF7A  }
0x23: {  	s9 =	sor.u32 $0xD0000000, s2;
	s6 =	simm.s32 $0x108;
	_ =	swait.ge @!p0 [sflag:s8], $0x0  }
0x24: {  	s3 =	sadd.s32 $0x88, s3;
	s6 =	simm.s32 @!p1 $0x1082;
	[sflag:s4] =	ssyncset.s32 $0xFFFFF086  }
0x25: {  	[simem:s6], [sflag:s4] =	dma.local [hbm:s3], $0xF7A  }
0x26: {  	[smem:$0x3F92] =	sst s1;
	(tag) =	ssettag s2;
	_ =	strace s9  }
0x27: {  	s1 =	sld [smem:$0x3FA2]  }
0x28: {  	s2 =	sld [smem:$0x3FA3]  }
0x29: {  	s4 =	sld [smem:$0x3FA5]  }
0x2a: {  	p0 =	seq.s32 s5, $0x0;
	s5 =	sld [smem:$0x3FA6]  }
0x2b: {  	s6 =	sld [smem:$0x3FA7]  }
0x2c: {  	s7 =	sld [smem:$0x3FA8]  }
0x2d: {  	s3 =	simm.s32 $0x108;
	s8 =	sld [smem:$0x3FA9]  }
0x2e: {  	s3 =	simm.s32 @!p0 $0x1082;
	s9 =	sld [smem:$0x3FAA]  }
0x2f: {  	lr =	sadd.s32 s0, s3;
	s0 =	sld [smem:$0x3FA1]  }
0x30: {  	s3 =	sld [smem:$0x3FA4]  }
0x31: {  	[smem:$0x3FAD] =	sst s10  }
0x32: {  	s10 =	sld [smem:$0x3FAB];
	_ =	sdelay $0x3  }
0x33: {  	p0 =	seq.s32 s10, $0x1;
	s10 =	sld [smem:$0x3FAD];
	_ =	sdelay $0x3  }
0x34: {  	[smem:$0x3FAD] =	sst s10  }
0x35: {  	s10 =	sld [smem:$0x3FAC];
	_ =	sdelay $0x3  }
0x36: {  	p1 =	seq.s32 s10, $0x1;
	s10 =	sld [smem:$0x3FAD];
	_ =	sdelay $0x3  }
0x37: {  	[smem:$0x3FAD] =	sst s10  }
0x38: {  	s10 =	sld [smem:$0x3FAE]  }
0x39: {  	_ = 	snop;
	(pc) =	sbr.ind lr, $3  }
0x3a: {  	_ = 	snop  }
0x3b: {  	_ = 	snop  }
0x3c: {  	p2 =	seq.s32 s10, $0x1;
	s10 =	sld [smem:$0x3FAD]  }
0x3d: {  	_ =	shalt  }
0x3e: {  	_ =	shalt  }
0x3f: {  	_ =	shalt  }
0x40: {  	_ =	shalt  }
0x41: {  	_ =	shalt  }
0x42: {  	_ =	shalt  }
0x43: {  	_ =	shalt  }
0x44: {  	_ =	shalt  }
0x45: {  	_ =	shalt  }
0x46: {  	_ =	shalt  }
0x47: {  	_ =	shalt  }
0x48: {  	_ =	shalt  }
0x49: {  	_ =	shalt  }
0x4a: {  	_ =	shalt  }
0x4b: {  	_ =	shalt  }
0x4c: {  	_ =	shalt  }
0x4d: {  	_ =	shalt  }
0x4e: {  	_ =	shalt  }
0x4f: {  	_ =	shalt  }
0x50: {  	_ =	shalt  }
0x51: {  	_ =	shalt  }
0x52: {  	_ =	shalt  }
0x53: {  	_ =	shalt  }
0x54: {  	_ =	shalt  }
0x55: {  	_ =	shalt  }
0x56: {  	_ =	shalt  }
0x57: {  	_ =	shalt  }
0x58: {  	_ =	shalt  }
0x59: {  	_ =	shalt  }
0x5a: {  	_ =	shalt  }
0x5b: {  	_ =	shalt  }
0x5c: {  	_ =	shalt  }
0x5d: {  	_ =	shalt  }
0x5e: {  	_ =	shalt  }
0x5f: {  	_ =	shalt  }
0x60: {  	_ =	shalt  }
0x61: {  	_ =	shalt  }
0x62: {  	_ =	shalt  }
0x63: {  	_ =	shalt  }
0x64: {  	_ =	shalt  }
0x65: {  	_ =	shalt  }
0x66: {  	_ =	shalt  }
0x67: {  	_ =	shalt  }
0x68: {  	_ =	shalt  }
0x69: {  	_ =	shalt  }
0x6a: {  	_ =	shalt  }
0x6b: {  	_ =	shalt  }
0x6c: {  	_ =	shalt  }
0x6d: {  	_ =	shalt  }
0x6e: {  	_ =	shalt  }
0x6f: {  	_ =	shalt  }
0x70: {  	_ =	shalt  }
0x71: {  	_ =	shalt  }
0x72: {  	_ =	shalt  }
0x73: {  	_ =	shalt  }
0x74: {  	_ =	shalt  }
0x75: {  	_ =	shalt  }
0x76: {  	_ =	shalt  }
0x77: {  	_ =	shalt  }
0x78: {  	_ =	shalt  }
0x79: {  	_ =	shalt  }
0x7a: {  	_ =	shalt  }
0x7b: {  	_ =	shalt  }
0x7c: {  	_ =	shalt  }
0x7d: {  	_ =	shalt  }
0x7e: {  	_ =	shalt  }
0x7f: {  	_ =	shalt  }
0x80: {  	_ =	shalt  }
0x81: {  	_ =	shalt  }
0x82: {  	_ =	shalt  }
0x83: {  	_ =	shalt  }
0x84: {  	_ =	shalt  }
0x85: {  	_ =	shalt  }
0x86: {  	_ =	shalt  }
0x87: {  	_ =	shalt  }
.Lfunc_end0:
.L_simem_size_0:
called_computation.2_lowered:
.L_overlay_start_0:
0x88: {  	s2 =	sld [smem:$0x3FD9]  }
0x89: {  	s3 =	sld [smem:$0x3FFE];
	_ =	sdelay $0x1  }
0x8a: {  	s1 =	srdreg.scid  }
0x8b: {  	s0 =	sand.u32 $0x1, s1  }
0x8c: {  	s16 =	sshll.u32 s0, $0xA;
	s2 =	sadd.s32 s3, s2  }
0x8d: {  	s2 =	sadd.s32 s2, s16  }
0x8e: {  	[smem:$0x3FB9] =	sst s2  }
0x8f: {  	_ = 	snop  }
0x90: {  	(tm) =	ssettm $0x1  }
0x91: {  	s17 =	sld [smem:$0x3FFB];
	_ =	sdelay $0x3  }
0x92: {  	_ =	strace s17  }
0x93: {  	s2 =	sld [smem:$0x3FFC];
	_ =	sdelay $0x3  }
0x94: {  	_ =	strace s2  }
0x95: {  	s2 =	sld [smem:$0x3FFD];
	_ =	sdelay $0x3  }
0x96: {  	_ =	strace s2  }
0x97: {  	_ =	strace $0x8FFFFFFF  }
0x98: {  	s18 =	sld [smem:$0x3FDB];
	_ =	sdelay $0x1  }
0x99: {  	s19 =	simm.s32 $_scs_section_size  }
0x9a: {  	s4 =	simm.s32 $_size__tile_overlayer_lowered;
	s5 =	simm.s32 $_tile_overlayer_lowered  }
0x9b: {  	s22 =	simm.s32 $0x1BFF;
	s21 =	sshll.u32 s5, $0x1;
	s2 =	sadd.s32 s19, s18  }
0x9c: {  	s6 =	simm.s32 $0x0;
	s20 =	sshll.u32 s4, $0x1;
	s4 =	sadd.s32 s21, s2  }
0x9d: {  	[timem:s6], [sflag:s22] =	dma.local [hbm:s4], s20  }
0x9e: {  	_ =	swait.ge [sflag:s22], s20  }
0x9f: {  	s3 =	ssub.s32 $0x0, s20;
	[sflag:s22] =	ssyncset.done $0x0  }
0xa0: {  	[sflag:s22] =	ssyncadd.s32 s3;
	_ =	sdelay $0x1  }
0xa1: {  	s23 =	simm.s32 $0x1B8B  }
0xa2: {  	_ =	swait.ge [sflag:s23], $0x1  }
0xa3: {  	[sflag:s23] =	ssyncset.done $0x0  }
0xa4: {  	s25 =	simm.s32 $0x1B8E;
	s24 =	sld [smem:$0x3FFE];
	[sflag:s23] =	ssyncadd.s32 $0xFFFFFFFF  }
0xa5: {  	s26 =	simm.s32 $execute0_lowered;
	[smem:$0x3FD2] =	sst s25  }
0xa6: {  	s4 =	sshll.u32 s26, $0x1;
	_ =	strace $0x8000004C;
	[dreg:$0x1] =	wrdreg $0xFFFFFFFF  }
0xa7: {  	s28 =	simm.s32 $_size_execute0_lowered;
	s2 =	sadd.s32 s2, s4;
	[dreg:$0x0] =	wrdreg $0x0  }
0xa8: {  	s4 =	sshll.u32 s28, $0x1;
	[dreg:$0x2] =	wrdreg s2  }
0xa9: {  	[dreg:$0x3] =	wrdreg s4  }
0xaa: {  	[dreg:$0x4] =	wrdreg $0xC0  }
0xab: {  	_ =	task [dreg:s6], $0x5FFFF  }
0xac: {  	[dreg:$0x1] =	wrdreg $0xFFFFFFFF  }
0xad: {  	[dreg:$0x0] =	wrdreg $0x60  }
0xae: {  	[dreg:$0x2] =	wrdreg s24  }
0xaf: {  	[dreg:$0x3] =	wrdreg $0x0  }
0xb0: {  	[dreg:$0x4] =	wrdreg $0x9  }
0xb1: {  	_ =	task.clear_ibuf [dreg:s6], $0x5FFFF;
	_ =	strace $0x9000004C  }
0xb2: {  	s29 =	simm.s32 $0x9;
	_ =	strace $0x8000004E  }
0xb3: {  	_ =	swait.ge [sflag:s29], $0x1  }
0xb4: {  	[sflag:s29] =	ssyncadd.s32 $0xFFFFFFFF  }
0xb5: {  	_ =	strace $0x9000004E  }
0xb6: {  	_ =	sfence  }
0xb7: {  	s30 =	sld [smem:$0x0];
	_ =	sdelay $0x2  }
0xb8: {  	s31 =	sshll.u32 s1, $0xD;
	s1 =	sshrl.u32 s1, $0x2  }
0xb9: {  	s3 =	sand.u32 $0x4000, s31;
	s1 =	sadd.s32 s1, s30  }
0xba: {  	s0 =	sor.u32 s3, s0;
	s1 =	sshll.u32 s1, $0x11  }
0xbb: {  	s0 =	sor.u32 s1, s0  }
0xbc: {  	s0 =	sadd.s32 $0x8F2B, s0  }
0xbd: {  	[sflag:s0] =	ssyncadd.remote.s32 $0x1  }
0xbe: {  	_ =	sfence.sel $0xFFFF  }
0xbf: {  	[dreg:$0x0] =	wrdreg $0xFFFFFFFF;
	(pc) =	sbr.abs _section_cstart, $3  }
0xc0: {  	[dreg:$0x1] =	wrdreg $0xFFFFFFFF  }
0xc1: {  	_ =	task.clear_ibuf [dreg:s6], $0x2FFFF;
	_ =	strace $0x9FFFFFFF  }
0xc2: {  	(tm) =	ssettm $0x7FFFFFFF  }
0xc3: {  	_ =	shalt  }
tec
execute0_lowered:
.L_overlay_start_1:
0x0: {  	(tag) =	ssettag $0x1  }
0x1: {  	s6 =	rddreg [dreg:$0x0]  }
0x2: {  	s0 =	srdreg.scid;
	s2 =	rddreg [dreg:$0x1]  }
0x3: {  	s3 =	simm.s32 $0x0;
	s12 =	simm.s32 $0xC350;
	s15 =	simm.s32 $0x190  }
0x4: {  	s16 =	simm.s32 $0xEA60;
	s17 =	simm.s32 $0x14E60;
	s18 =	simm.s32 $0x1  }
0x5: {  	s19 =	simm.s32 $0x4;
	s20 =	simm.s32 $0x2;
	s21 =	simm.s32 $0xE8D0  }
0x6: {  	s22 =	simm.s32 $0x0;
	s5 =	sand.u32 $0x1, s0;
	s0 =	stileid.u32  }
0x7: {  	[smem:$0x7FF] =	sst s3;
	s4 =	sadd.s32 $0x16600, s6;
	s8 =	smul.u32 $0xFA00, s0  }
0x8: {  	s1 =	sshll.u32 s5, $0x4;
	s9 =	smul.u32 $0x9C400, s5;
	s5 =	ssub.s32 $0x2, s5  }
0x9: {  	p0 =	sgt.u32 s0, $0x9;
	s1 =	sor.u32 s0, s1;
	s11 =	sshrl.u32 s5, $0x1  }
0xa: {  	s13 =	sshll.u32 @!p0 s0, $0x6;
	s7 =	smul.u32 $0x4E2, s1;
	s1 =	rddreg [dreg:$0x2]  }
0xb: {  	_ =	strace $0x8000004D;
	s9 =	sadd.s32 s8, s9;
	s10 =	sshrl.u32 s8, $0x3  }
0xc: {  	s11 =	ssub.s32 s5, s11;
	s14 =	sadd.s32 s8, s2;
	s13 =	sor.u32 @!p0 $0x1C03, s13  }
0xd: {  	s9 =	sshrl.u32 s9, $0x3;
	s10 =	sadd.s32 s10, s6;
	s7 =	sadd.s32 s7, s6  }
0xe: {  	s14 =	sshrl.u32 @!p0 s14, $0x3;
	s9 =	sadd.s32 s9, s6;
	s5 =	sadd.s32 $0xC800, s7  }
0xf: {  	s6 =	sadd.s32 $0x2A00, s7;
	s7 =	sadd.s32 $0x2A000, s10;
	s8 =	sadd.s32 $0x3DA00, s9  }
0x10: {  	s9 =	smax.u32 s11, $0x1;
	s10 =	simm.s32 $0x9C40;
	s11 =	simm.s32 $0x3  }
.LBB2_1:
0x11: {  	[tilespmem:s10], [sflag:$0x3] =	stream.linear.gather [hbm4b:s5+s3], $0x2710, $0x38;
	[tilespmem:$0x1B260] =	vst v63  }
0x12: {  	_ =	swait.ge [sflag:s11], $0x2710  }
0x13: {  	[sflag:s11] =	ssyncset.done $0x0  }
0x14: {  	[sflag:s11] =	ssyncadd.s32 $0xFFFFD8F0  }
0x15: {  	[tilespmem:s12], [sflag:$0x3] =	stream.linear.gather [hbm4b:s6+s3], $0x2710, $0x38;
	[tilespmem:$0x1B260] =	vst v63  }
0x16: {  	_ =	swait.ge [sflag:s11], $0x2710  }
0x17: {  	[sflag:s11] =	ssyncset.done $0x0  }
0x18: {  	s23 =	simm.s32 @!p0 $0x3;
	[sflag:s11] =	ssyncadd.s32 $0xFFFFD8F0  }
0x19: {  	[spmem:s14], [sflag:s13] =	dma.local @!p0 [hbm:s7], $0x1F40  }
0x1a: {  	_ =	swait.ge @!p0 [sflag:s23], $0x1F40  }
0x1b: {  	[sflag:s23] =	ssyncset.done @!p0 $0x0  }
0x1c: {  	[sflag:s23] =	ssyncadd.s32 @!p0 $0xFFFFE0C0  }
0x1d: {  	[bflag:$0x0] =	sbarrier.arrive $0xFFFF  }
0x1e: {  	[tilespmem:s16], [sflag:$0x1] =	stream.indirect.gather [hbm4b:s4+s15], $0x40, s10, s15, $0xb8;
	[tilespmem:$0x1B260] =	vst v63  }
0x1f: {  	s28 =	simm.s32 $0x9DD0  }
0x20: {  	[tilespmem:s17], [sflag:$0x2] =	stream.indirect.gather [hbm4b:s4+s15], $0x40, s28, s15, $0xb8;
	[tilespmem:$0x1B260] =	vst v63  }
0x21: {  	_ =	swait.ge [sflag:s18], $0x6400  }
0x22: {  	[sflag:s18] =	ssyncset.done $0x0  }
0x23: {  	s29 =	simm.s32 $0xC350;
	[sflag:s18] =	ssyncadd.s32 $0xFFFF9C00  }
0x24: {  	[spmem:s2] =	stream.indirect.scatter.add.f32 [tilespmem:s16], [sflag:$0x4], $0x40, s29, s15, $0xb8;
	[tilespmem:$0x1B260] =	vst v63  }
0x25: {  	_ =	swait.ge [sflag:s19], $0x6400  }
0x26: {  	[sflag:s19] =	ssyncset.done $0x0  }
0x27: {  	s30 =	simm.s32 $0x9F60;
	[sflag:s19] =	ssyncadd.s32 $0xFFFF9C00  }
0x28: {  	[tilespmem:s16], [sflag:$0x1] =	stream.indirect.gather [hbm4b:s4+s15], $0x40, s30, s15, $0xb8;
	[tilespmem:$0x1B260] =	vst v63  }
0x29: {  	_ =	swait.ge [sflag:s20], $0x6400  }
0x2a: {  	[sflag:s20] =	ssyncset.done $0x0  }
0x2b: {  	s31 =	simm.s32 $0xC4E0;
	[sflag:s20] =	ssyncadd.s32 $0xFFFF9C00  }
0x2c: {  	[spmem:s2] =	stream.indirect.scatter.add.f32 [tilespmem:s17], [sflag:$0x3], $0x40, s31, s15, $0xb8;
	[tilespmem:$0x1B260] =	vst v63  }
0x2d: {  	_ =	swait.ge [sflag:s11], $0x6400  }
0x2e: {  	s24 =	simm.s32 $0x1900;
	s23 =	simm.s32 $0x320;
	[sflag:s11] =	ssyncset.done $0x0  }
.LBB2_2:
0x2f: {  	s25 =	sadd.s32 $0x9DD0, s23  }
0x30: {  	[sflag:s11] =	ssyncadd.s32 $0xFFFF9C00;
	s26 =	smov.u32 s24;
	s28 =	sadd.s32 $0xC80, s24  }
0x31: {  	[tilespmem:s17], [sflag:$0x2] =	stream.indirect.gather [hbm4b:s4+s15], $0x40, s25, s15, $0xb8;
	[tilespmem:$0x1B260] =	vst v63  }
0x32: {  	p1 =	sne.s32 s24, $0x8980;
	_ =	swait.ge [sflag:s18], $0x6400  }
0x33: {  	[sflag:s18] =	ssyncset.done $0x0  }
0x34: {  	s24 =	sadd.s32 $0xC350, s23;
	[sflag:s18] =	ssyncadd.s32 $0xFFFF9C00  }
0x35: {  	[spmem:s2] =	stream.indirect.scatter.add.f32 [tilespmem:s16], [sflag:$0x4], $0x40, s24, s15, $0xb8;
	[tilespmem:$0x1B260] =	vst v63  }
0x36: {  	_ =	swait.ge [sflag:s19], $0x6400  }
0x37: {  	[sflag:s19] =	ssyncset.done $0x0  }
0x38: {  	s24 =	sadd.s32 $0x9F60, s23;
	[sflag:s19] =	ssyncadd.s32 $0xFFFF9C00  }
0x39: {  	[tilespmem:s16], [sflag:$0x1] =	stream.indirect.gather [hbm4b:s4+s15], $0x40, s24, s15, $0xb8;
	[tilespmem:$0x1B260] =	vst v63  }
0x3a: {  	_ =	swait.ge [sflag:s20], $0x6400  }
.Ltmp0:
0x3b: {  	[sflag:s20] =	ssyncset.done $0x0;
	(pc) =	sbr.rel @p1 .LBB2_2-.Ltmp0, $4  }
0x3c: {  	s23 =	sadd.s32 $0xC4E0, s23;
	[sflag:s20] =	ssyncadd.s32 $0xFFFF9C00  }
0x3d: {  	[spmem:s2] =	stream.indirect.scatter.add.f32 [tilespmem:s17], [sflag:$0x3], $0x40, s23, s15, $0xb8;
	[tilespmem:$0x1B260] =	vst v63  }
0x3e: {  	_ =	swait.ge [sflag:s11], $0x6400  }
0x3f: {  	s24 =	smov.u32 s28;
	s23 =	sshra.s32 s26, $0x2;
	[sflag:s11] =	ssyncset.done $0x0  }
0x40: {  	s24 =	sadd.s32 $0x9DD0, s23;
	[sflag:s11] =	ssyncadd.s32 $0xFFFF9C00  }
0x41: {  	[tilespmem:s17], [sflag:$0x2] =	stream.indirect.gather [hbm4b:s4+s15], $0x40, s24, s15, $0xb8;
	[tilespmem:$0x1B260] =	vst v63  }
0x42: {  	_ =	swait.ge [sflag:s18], $0x6400  }
0x43: {  	[sflag:s18] =	ssyncset.done $0x0  }
0x44: {  	s29 =	sadd.s32 $0xC350, s23;
	[sflag:s18] =	ssyncadd.s32 $0xFFFF9C00  }
0x45: {  	[spmem:s2] =	stream.indirect.scatter.add.f32 [tilespmem:s16], [sflag:$0x4], $0x40, s29, s15, $0xb8;
	[tilespmem:$0x1B260] =	vst v63  }
0x46: {  	_ =	swait.ge [sflag:s19], $0x6400  }
0x47: {  	[sflag:s19] =	ssyncset.done $0x0  }
0x48: {  	s30 =	sadd.s32 $0x9F60, s23;
	[sflag:s19] =	ssyncadd.s32 $0xFFFF9C00  }
0x49: {  	[tilespmem:s16], [sflag:$0x1] =	stream.indirect.gather [hbm4b:s4+s15], $0x40, s30, s15, $0xb8;
	[tilespmem:$0x1B260] =	vst v63  }
0x4a: {  	_ =	swait.ge [sflag:s20], $0x6400  }
0x4b: {  	[sflag:s20] =	ssyncset.done $0x0  }
0x4c: {  	s31 =	sadd.s32 $0xC4E0, s23;
	[sflag:s20] =	ssyncadd.s32 $0xFFFF9C00  }
0x4d: {  	[spmem:s2] =	stream.indirect.scatter.add.f32 [tilespmem:s17], [sflag:$0x3], $0x40, s31, s15, $0xb8;
	[tilespmem:$0x1B260] =	vst v63  }
0x4e: {  	_ =	swait.ge [sflag:s11], $0x6400  }
0x4f: {  	[sflag:s11] =	ssyncset.done $0x0  }
0x50: {  	[sflag:s11] =	ssyncadd.s32 $0xFFFF9C00  }
0x51: {  	_ =	swait.ge [sflag:s18], $0x6400  }
0x52: {  	[sflag:s18] =	ssyncset.done $0x0  }
0x53: {  	[sflag:s18] =	ssyncadd.s32 $0xFFFF9C00  }
0x54: {  	[spmem:s2] =	stream.indirect.scatter.add.f32 [tilespmem:s16], [sflag:$0x4], $0x40, s21, s15, $0xb8;
	[tilespmem:$0x1B260] =	vst v63  }
0x55: {  	_ =	swait.ge [sflag:s19], $0x6400  }
0x56: {  	s22 =	sadd.s32 $0x1, s22;
	[sflag:s19] =	ssyncset.done $0x0  }
0x57: {  	p1 =	sne.s32 s22, s9;
	[sflag:s19] =	ssyncadd.s32 $0xFFFF9C00  }
.Ltmp1:
0x58: {  	s23 =	simm.s32 @!p0 $0x3;
	[bflag:$0x0] =	sbarrier.arrive $0xFFFF;
	(pc) =	sbr.rel @p1 .LBB2_1-.Ltmp1, $4  }
0x59: {  	[hbm:s8], [sflag:s13] =	dma.local @!p0 [spmem:s14], $0x1F40  }
0x5a: {  	_ =	swait.ge @!p0 [sflag:s23], $0x1F40  }
0x5b: {  	[sflag:s23] =	ssyncset.done @!p0 $0x0  }
0x5c: {  	[sflag:s23] =	ssyncadd.s32 @!p0 $0xFFFFE0C0  }
0x5d: {  	_ =	sfence.sel $0x180000  }
0x5e: {  	[bflag:$0x0] =	sbarrier.arrive $0xFFFF  }
0x5f: {  	p0 =	sne.s32 s0, $0x0;
	_ =	strace $0x9000004D  }
0x60: {  	s0 =	sadd.s32 @!p0 $0x100000, s1;
	[bflag:$0x2] =	sbarrier.arrive $0xFFFF  }
0x61: {  	[sflag:s0] =	ssyncadd.tile.s32 @!p0 $0x1;
	_ =	shalt  }
.Lfunc_end2:
_tile_overlayer_lowered:
.L_overlay_start_2:
0x62: {  	(tag) =	ssettag $0x2  }
0x63: {  	s0 =	rddreg [dreg:$0x0];
	s2 =	stileid.u32  }
0x64: {  	s1 =	rddreg [dreg:$0x1];
	p0 =	sne.s32 s2, $0x0  }
0x65: {  	s3 =	rddreg [dreg:$0x2];
	[bflag:$0x3] =	sbarrier.arrive $0xFFFF;
	s2 =	simm.s32 @!p0 $0x1C03  }
0x66: {  	[timem:s3], [sflag:s2] =	dma.local @!p0 [hbm:s0], s1  }
0x67: {  	s0 =	simm.s32 @!p0 $0x3  }
0x68: {  	_ =	swait.ge @!p0 [sflag:s0], s1  }
0x69: {  	s1 =	ssub.s32 @!p0 $0x0, s1;
	[sflag:s0] =	ssyncset.done @!p0 $0x0  }
0x6a: {  	[sflag:s0] =	ssyncadd.s32 @!p0 s1  }
0x6b: {  	[bflag:$0x3] =	sbarrier.arrive $0xFFFF  }
0x6c: {  	_ =	shalt  }

// kernel: kernel.8.cloned.1.call-start
scs
__scs_entry_jumppad:
0x0: {  	(pc) =	sbr.rel $0x88, $3  }
0x1: {  	(tag) =	ssettag $0x0;
	lr =	simm.s32 $0x1  }
0x2: {  	[smem:$0x3F92] =	sst lr;
	_ =	strace $0xD0000000  }
0x3: {  	_ = 	snop  }
0x4: {  	_ = 	snop  }
0x5: {  	_ = 	snop  }
0x6: {  	_ = 	snop  }
0x7: {  	_ = 	snop  }
__scs_overlays_trampoline_lowered:
0x8: {  	[smem:$0x3FA1] =	sst s0  }
0x9: {  	[smem:$0x3FA2] =	sst s1  }
0xa: {  	[smem:$0x3FA3] =	sst s2  }
0xb: {  	[smem:$0x3FA4] =	sst s3  }
0xc: {  	[smem:$0x3FA5] =	sst s4  }
0xd: {  	[smem:$0x3FA6] =	sst s5  }
0xe: {  	[smem:$0x3FA7] =	sst s6  }
0xf: {  	[smem:$0x3FA8] =	sst s7  }
0x10: {  	[smem:$0x3FA9] =	sst s8  }
0x11: {  	[smem:$0x3FAA] =	sst s9;
	s0 =	simm.s32 @!p0 $0x0  }
0x12: {  	s1 =	sld [smem:$0x3F90];
	s0 =	simm.s32 @p0 $0x1  }
0x13: {  	[smem:$0x3FAB] =	sst s0;
	s0 =	simm.s32 @!p1 $0x0  }
0x14: {  	s2 =	sld [smem:$0x3F8F];
	s0 =	simm.s32 @p1 $0x1  }
0x15: {  	[smem:$0x3FAC] =	sst s0;
	s0 =	simm.s32 @!p2 $0x0  }
0x16: {  	s3 =	sld [smem:$0x3FDB];
	s0 =	simm.s32 @p2 $0x1  }
0x17: {  	s4 =	simm.s32 $0x1BF5;
	[smem:$0x3FAE] =	sst s0  }
0x18: {  	s0 =	sld [smem:$0x3F91];
	_ =	swait.ge [sflag:s4], $0x0  }
0x19: {  	s7 =	sld [smem:$0x3F92]  }
0x1a: {  	s8 =	sadd.s32 $0xFFFFE003, lr  }
0x1b: {  	s9 =	sadd.s32 $0xFFFFFEF7, lr;
	s5 =	simm.s32 $0xFFFFFFFF;
	p2 =	slt.u32 s8, $0xFFFFF086  }
0x1c: {  	p1 =	slt.u32 s9, $0xF7A;
	s5 =	simm.s32 @!p2 $0x0  }
0x1d: {  	s5 =	simm.s32 @p1 $0x1;
	p0 =	seq.s32 s7, s2  }
0x1e: {  	s7 =	smul.u32 @!p0 $0xF7A, s2;
	p2 =	seq.s32 @!p0 s5, $0x0  }
0x1f: {  	s9 =	smul.u32 $0xF7A, s1;
	s8 =	simm.s32 @!p0 $0x1BF5;
	p2 =	por !p2, p0  }
0x20: {  	[sflag:s8] =	ssyncset.s32 @!p0 $0xFFFFF086;
	s6 =	sadd.s32 @!p0 s3, s7;
	s7 =	simm.s32 @!p0 $0x108  }
0x21: {  	s3 =	sadd.s32 s3, s9;
	s6 =	sadd.s32 @!p0 $0x88, s6;
	s7 =	simm.s32 @p2 $0x1082  }
0x22: {  	[simem:s7], [sflag:s8] =	dma.local @!p0 [hbm:s6], $0xF7A  }
0x23: {  	s9 =	sor.u32 $0xD0000000, s2;
	s6 =	simm.s32 $0x108;
	_ =	swait.ge @!p0 [sflag:s8], $0x0  }
0x24: {  	s3 =	sadd.s32 $0x88, s3;
	s6 =	simm.s32 @!p1 $0x1082;
	[sflag:s4] =	ssyncset.s32 $0xFFFFF086  }
0x25: {  	[simem:s6], [sflag:s4] =	dma.local [hbm:s3], $0xF7A  }
0x26: {  	[smem:$0x3F92] =	sst s1;
	(tag) =	ssettag s2;
	_ =	strace s9  }
0x27: {  	s1 =	sld [smem:$0x3FA2]  }
0x28: {  	s2 =	sld [smem:$0x3FA3]  }
0x29: {  	s4 =	sld [smem:$0x3FA5]  }
0x2a: {  	p0 =	seq.s32 s5, $0x0;
	s5 =	sld [smem:$0x3FA6]  }
0x2b: {  	s6 =	sld [smem:$0x3FA7]  }
0x2c: {  	s7 =	sld [smem:$0x3FA8]  }
0x2d: {  	s3 =	simm.s32 $0x108;
	s8 =	sld [smem:$0x3FA9]  }
0x2e: {  	s3 =	simm.s32 @!p0 $0x1082;
	s9 =	sld [smem:$0x3FAA]  }
0x2f: {  	lr =	sadd.s32 s0, s3;
	s0 =	sld [smem:$0x3FA1]  }
0x30: {  	s3 =	sld [smem:$0x3FA4]  }
0x31: {  	[smem:$0x3FAD] =	sst s10  }
0x32: {  	s10 =	sld [smem:$0x3FAB];
	_ =	sdelay $0x3  }
0x33: {  	p0 =	seq.s32 s10, $0x1;
	s10 =	sld [smem:$0x3FAD];
	_ =	sdelay $0x3  }
0x34: {  	[smem:$0x3FAD] =	sst s10  }
0x35: {  	s10 =	sld [smem:$0x3FAC];
	_ =	sdelay $0x3  }
0x36: {  	p1 =	seq.s32 s10, $0x1;
	s10 =	sld [smem:$0x3FAD];
	_ =	sdelay $0x3  }
0x37: {  	[smem:$0x3FAD] =	sst s10  }
0x38: {  	s10 =	sld [smem:$0x3FAE]  }
0x39: {  	_ = 	snop;
	(pc) =	sbr.ind lr, $3  }
0x3a: {  	_ = 	snop  }
0x3b: {  	_ = 	snop  }
0x3c: {  	p2 =	seq.s32 s10, $0x1;
	s10 =	sld [smem:$0x3FAD]  }
0x3d: {  	_ =	shalt  }
0x3e: {  	_ =	shalt  }
0x3f: {  	_ =	shalt  }
0x40: {  	_ =	shalt  }
0x41: {  	_ =	shalt  }
0x42: {  	_ =	shalt  }
0x43: {  	_ =	shalt  }
0x44: {  	_ =	shalt  }
0x45: {  	_ =	shalt  }
0x46: {  	_ =	shalt  }
0x47: {  	_ =	shalt  }
0x48: {  	_ =	shalt  }
0x49: {  	_ =	shalt  }
0x4a: {  	_ =	shalt  }
0x4b: {  	_ =	shalt  }
0x4c: {  	_ =	shalt  }
0x4d: {  	_ =	shalt  }
0x4e: {  	_ =	shalt  }
0x4f: {  	_ =	shalt  }
0x50: {  	_ =	shalt  }
0x51: {  	_ =	shalt  }
0x52: {  	_ =	shalt  }
0x53: {  	_ =	shalt  }
0x54: {  	_ =	shalt  }
0x55: {  	_ =	shalt  }
0x56: {  	_ =	shalt  }
0x57: {  	_ =	shalt  }
0x58: {  	_ =	shalt  }
0x59: {  	_ =	shalt  }
0x5a: {  	_ =	shalt  }
0x5b: {  	_ =	shalt  }
0x5c: {  	_ =	shalt  }
0x5d: {  	_ =	shalt  }
0x5e: {  	_ =	shalt  }
0x5f: {  	_ =	shalt  }
0x60: {  	_ =	shalt  }
0x61: {  	_ =	shalt  }
0x62: {  	_ =	shalt  }
0x63: {  	_ =	shalt  }
0x64: {  	_ =	shalt  }
0x65: {  	_ =	shalt  }
0x66: {  	_ =	shalt  }
0x67: {  	_ =	shalt  }
0x68: {  	_ =	shalt  }
0x69: {  	_ =	shalt  }
0x6a: {  	_ =	shalt  }
0x6b: {  	_ =	shalt  }
0x6c: {  	_ =	shalt  }
0x6d: {  	_ =	shalt  }
0x6e: {  	_ =	shalt  }
0x6f: {  	_ =	shalt  }
0x70: {  	_ =	shalt  }
0x71: {  	_ =	shalt  }
0x72: {  	_ =	shalt  }
0x73: {  	_ =	shalt  }
0x74: {  	_ =	shalt  }
0x75: {  	_ =	shalt  }
0x76: {  	_ =	shalt  }
0x77: {  	_ =	shalt  }
0x78: {  	_ =	shalt  }
0x79: {  	_ =	shalt  }
0x7a: {  	_ =	shalt  }
0x7b: {  	_ =	shalt  }
0x7c: {  	_ =	shalt  }
0x7d: {  	_ =	shalt  }
0x7e: {  	_ =	shalt  }
0x7f: {  	_ =	shalt  }
0x80: {  	_ =	shalt  }
0x81: {  	_ =	shalt  }
0x82: {  	_ =	shalt  }
0x83: {  	_ =	shalt  }
0x84: {  	_ =	shalt  }
0x85: {  	_ =	shalt  }
0x86: {  	_ =	shalt  }
0x87: {  	_ =	shalt  }
.Lfunc_end0:
.L_simem_size_0:
called_computation_lowered:
.L_overlay_start_0:
0x88: {  	s2 =	sld [smem:$0x3FD9]  }
0x89: {  	s3 =	sld [smem:$0x3FFE];
	_ =	sdelay $0x1  }
0x8a: {  	s1 =	srdreg.scid  }
0x8b: {  	s0 =	sand.u32 $0x1, s1  }
0x8c: {  	s17 =	sshll.u32 s0, $0xA;
	s2 =	sadd.s32 s3, s2  }
0x8d: {  	s2 =	sadd.s32 s2, s17  }
0x8e: {  	[smem:$0x3FB9] =	sst s2  }
0x8f: {  	_ = 	snop  }
0x90: {  	s2 =	sld [smem:$0x3FC9];
	(tm) =	ssettm $0x1  }
0x91: {  	s18 =	sld [smem:$0x3FFB];
	_ =	sdelay $0x3  }
0x92: {  	_ =	strace s18  }
0x93: {  	s3 =	sld [smem:$0x3FFC];
	_ =	sdelay $0x3  }
0x94: {  	_ =	strace s3  }
0x95: {  	s3 =	sld [smem:$0x3FFD];
	_ =	sdelay $0x3  }
0x96: {  	_ =	strace s3  }
0x97: {  	_ =	strace $0x8FFFFFFF  }
0x98: {  	s19 =	sld [smem:$0x3FDB];
	_ =	sdelay $0x1  }
0x99: {  	s4 =	simm.s32 $_scs_section_size  }
0x9a: {  	s5 =	simm.s32 $_size__tile_overlayer_lowered;
	s6 =	simm.s32 $_tile_overlayer_lowered  }
0x9b: {  	s22 =	simm.s32 $0x1BFF;
	s21 =	sshll.u32 s6, $0x1;
	s3 =	sadd.s32 s4, s19  }
0x9c: {  	s7 =	simm.s32 $0x0;
	s20 =	sshll.u32 s5, $0x1;
	s5 =	sadd.s32 s21, s3  }
0x9d: {  	[timem:s7], [sflag:s22] =	dma.local [hbm:s5], s20  }
0x9e: {  	_ =	swait.ge [sflag:s22], s20  }
0x9f: {  	s4 =	ssub.s32 $0x0, s20;
	[sflag:s22] =	ssyncset.done $0x0  }
0xa0: {  	[sflag:s22] =	ssyncadd.s32 s4;
	_ =	sdelay $0x1  }
0xa1: {  	s23 =	simm.s32 $0x1B8B  }
0xa2: {  	_ =	swait.ge [sflag:s23], $0x1  }
0xa3: {  	[sflag:s23] =	ssyncset.done $0x0  }
0xa4: {  	s25 =	simm.s32 $0x1B8E;
	s24 =	sld [smem:$0x3FFE];
	[sflag:s23] =	ssyncadd.s32 $0xFFFFFFFF  }
0xa5: {  	s26 =	simm.s32 $execute0_lowered;
	[smem:$0x3FD2] =	sst s25  }
0xa6: {  	s5 =	sshll.u32 s26, $0x1;
	_ =	strace $0x80000046;
	[dreg:$0x1] =	wrdreg $0xFFFFFFFF  }
0xa7: {  	s28 =	simm.s32 $_size_execute0_lowered;
	s3 =	sadd.s32 s3, s5;
	[dreg:$0x0] =	wrdreg $0x0  }
0xa8: {  	s5 =	sshll.u32 s28, $0x1;
	[dreg:$0x2] =	wrdreg s3  }
0xa9: {  	[dreg:$0x3] =	wrdreg s5  }
0xaa: {  	[dreg:$0x4] =	wrdreg $0xC0  }
0xab: {  	_ =	task [dreg:s7], $0x5FFFF  }
0xac: {  	[dreg:$0x1] =	wrdreg $0xFFFFFFFF  }
0xad: {  	[dreg:$0x0] =	wrdreg $0x60  }
0xae: {  	[dreg:$0x2] =	wrdreg s2  }
0xaf: {  	[dreg:$0x3] =	wrdreg s24  }
0xb0: {  	[dreg:$0x4] =	wrdreg $0x0  }
0xb1: {  	[dreg:$0x5] =	wrdreg $0x9  }
0xb2: {  	_ =	task.clear_ibuf [dreg:s7], $0x6FFFF;
	_ =	strace $0x90000046  }
0xb3: {  	s29 =	simm.s32 $0x9;
	_ =	strace $0x80000048  }
0xb4: {  	_ =	swait.ge [sflag:s29], $0x1  }
0xb5: {  	[sflag:s29] =	ssyncadd.s32 $0xFFFFFFFF  }
0xb6: {  	_ =	strace $0x90000048  }
0xb7: {  	_ =	sfence  }
0xb8: {  	s30 =	sld [smem:$0x0];
	_ =	sdelay $0x2  }
0xb9: {  	s31 =	sshll.u32 s1, $0xD;
	s1 =	sshrl.u32 s1, $0x2  }
0xba: {  	s3 =	sand.u32 $0x4000, s31;
	s1 =	sadd.s32 s1, s30  }
0xbb: {  	s0 =	sor.u32 s3, s0;
	s1 =	sshll.u32 s1, $0x11  }
0xbc: {  	s0 =	sor.u32 s1, s0  }
0xbd: {  	s0 =	sadd.s32 $0x8F2B, s0  }
0xbe: {  	[sflag:s0] =	ssyncadd.remote.s32 $0x1  }
0xbf: {  	_ =	sfence.sel $0xFFFF  }
0xc0: {  	[dreg:$0x0] =	wrdreg $0xFFFFFFFF;
	(pc) =	sbr.abs _section_cstart, $3  }
0xc1: {  	[dreg:$0x1] =	wrdreg $0xFFFFFFFF  }
0xc2: {  	_ =	task.clear_ibuf [dreg:s7], $0x2FFFF;
	_ =	strace $0x9FFFFFFF  }
0xc3: {  	(tm) =	ssettm $0x7FFFFFFF  }
tec
execute0_lowered:
.L_overlay_start_1:
0x0: {  	(tag) =	ssettag $0x1  }
0x1: {  	s1 =	rddreg [dreg:$0x0]  }
0x2: {  	s0 =	srdreg.scid;
	s6 =	rddreg [dreg:$0x1]  }
0x3: {  	s3 =	rddreg [dreg:$0x2];
	s4 =	simm.s32 $0x0;
	s12 =	simm.s32 $0x15F90  }
0x4: {  	s15 =	simm.s32 $0x50;
	s16 =	simm.s32 $0x186A0;
	s17 =	simm.s32 $0x1AEA0  }
0x5: {  	s18 =	simm.s32 $0x1;
	s19 =	simm.s32 $0x4;
	s20 =	simm.s32 $0x2  }
0x6: {  	s21 =	simm.s32 $0x18650;
	s5 =	sand.u32 $0x1, s0;
	s0 =	stileid.u32  }
0x7: {  	s22 =	simm.s32 $0x0;
	[smem:$0x7FF] =	sst s4;
	s8 =	smul.u32 $0x1F400, s0  }
0x8: {  	s2 =	sshll.u32 s5, $0x4;
	s9 =	smul.u32 $0x138800, s5;
	s5 =	ssub.s32 $0x2, s5  }
0x9: {  	p0 =	sgt.u32 s0, $0x9;
	s2 =	sor.u32 s0, s2;
	s11 =	sshrl.u32 s5, $0x1  }
0xa: {  	s13 =	sshll.u32 @!p0 s0, $0x6;
	s7 =	smul.u32 $0x4E2, s2;
	s2 =	rddreg [dreg:$0x3]  }
0xb: {  	_ =	strace $0x80000047;
	s9 =	sadd.s32 s8, s9;
	s10 =	sshrl.u32 s8, $0x3  }
0xc: {  	s11 =	ssub.s32 s5, s11;
	s14 =	sadd.s32 s8, s3;
	s13 =	sor.u32 @!p0 $0x1C03, s13  }
0xd: {  	s9 =	sshrl.u32 s9, $0x3;
	s10 =	sadd.s32 s10, s6;
	s7 =	sadd.s32 s7, s6  }
0xe: {  	s14 =	sshrl.u32 @!p0 s14, $0x3;
	s9 =	sadd.s32 s9, s6;
	s5 =	sadd.s32 $0xC800, s7  }
0xf: {  	s6 =	sadd.s32 $0x2A00, s7;
	s7 =	sadd.s32 $0x16600, s10;
	s8 =	sadd.s32 $0x3D800, s9  }
0x10: {  	s9 =	smax.u32 s11, $0x1;
	s10 =	simm.s32 $0x13880;
	s11 =	simm.s32 $0x3  }
.LBB2_1:
0x11: {  	[tilespmem:s10], [sflag:$0x3] =	stream.linear.gather [hbm4b:s5+s4], $0x2710, $0x38;
	[tilespmem:$0x1D6A0] =	vst v63  }
0x12: {  	_ =	swait.ge [sflag:s11], $0x2710  }
0x13: {  	[sflag:s11] =	ssyncset.done $0x0  }
0x14: {  	[sflag:s11] =	ssyncadd.s32 $0xFFFFD8F0  }
0x15: {  	[tilespmem:s12], [sflag:$0x3] =	stream.linear.gather [hbm4b:s6+s4], $0x2710, $0x38;
	[tilespmem:$0x1D6A0] =	vst v63  }
0x16: {  	_ =	swait.ge [sflag:s11], $0x2710  }
0x17: {  	[sflag:s11] =	ssyncset.done $0x0  }
0x18: {  	s23 =	simm.s32 @!p0 $0x3;
	[sflag:s11] =	ssyncadd.s32 $0xFFFFD8F0  }
0x19: {  	[spmem:s14], [sflag:s13] =	dma.local @!p0 [hbm:s7], $0x3E80  }
0x1a: {  	_ =	swait.ge @!p0 [sflag:s23], $0x3E80  }
0x1b: {  	[sflag:s23] =	ssyncset.done @!p0 $0x0  }
0x1c: {  	[sflag:s23] =	ssyncadd.s32 @!p0 $0xFFFFC180  }
0x1d: {  	[bflag:$0x0] =	sbarrier.arrive $0xFFFF  }
0x1e: {  	[tilespmem:s16], [sflag:$0x1] =	stream.indirect.gather [hbm4b:s1+s15], $0x80, s10, s15, $0xb8;
	[tilespmem:$0x1D6A0] =	vst v63  }
0x1f: {  	s28 =	simm.s32 $0x138D0  }
0x20: {  	[tilespmem:s17], [sflag:$0x2] =	stream.indirect.gather [hbm4b:s1+s15], $0x80, s28, s15, $0xb8;
	[tilespmem:$0x1D6A0] =	vst v63  }
0x21: {  	_ =	swait.ge [sflag:s18], $0x2800  }
0x22: {  	[sflag:s18] =	ssyncset.done $0x0  }
0x23: {  	s29 =	simm.s32 $0x15F90;
	[sflag:s18] =	ssyncadd.s32 $0xFFFFD800  }
0x24: {  	[spmem:s3] =	stream.indirect.scatter.add.f32 [tilespmem:s16], [sflag:$0x4], $0x80, s29, s15, $0xb8;
	[tilespmem:$0x1D6A0] =	vst v63  }
0x25: {  	_ =	swait.ge [sflag:s19], $0x2800  }
0x26: {  	[sflag:s19] =	ssyncset.done $0x0  }
0x27: {  	s30 =	simm.s32 $0x13920;
	[sflag:s19] =	ssyncadd.s32 $0xFFFFD800  }
0x28: {  	[tilespmem:s16], [sflag:$0x1] =	stream.indirect.gather [hbm4b:s1+s15], $0x80, s30, s15, $0xb8;
	[tilespmem:$0x1D6A0] =	vst v63  }
0x29: {  	_ =	swait.ge [sflag:s20], $0x2800  }
0x2a: {  	[sflag:s20] =	ssyncset.done $0x0  }
0x2b: {  	s31 =	simm.s32 $0x15FE0;
	[sflag:s20] =	ssyncadd.s32 $0xFFFFD800  }
0x2c: {  	[spmem:s3] =	stream.indirect.scatter.add.f32 [tilespmem:s17], [sflag:$0x3], $0x80, s31, s15, $0xb8;
	[tilespmem:$0x1D6A0] =	vst v63  }
0x2d: {  	_ =	swait.ge [sflag:s11], $0x2800  }
0x2e: {  	s24 =	simm.s32 $0x500;
	s23 =	simm.s32 $0xA0;
	[sflag:s11] =	ssyncset.done $0x0  }
.LBB2_2:
0x2f: {  	s25 =	sadd.s32 $0x138D0, s23  }
0x30: {  	[sflag:s11] =	ssyncadd.s32 $0xFFFFD800;
	s26 =	smov.u32 s24;
	s28 =	sadd.s32 $0x280, s24  }
0x31: {  	[tilespmem:s17], [sflag:$0x2] =	stream.indirect.gather [hbm4b:s1+s15], $0x80, s25, s15, $0xb8;
	[tilespmem:$0x1D6A0] =	vst v63  }
0x32: {  	p1 =	sne.s32 s24, $0x9880;
	_ =	swait.ge [sflag:s18], $0x2800  }
0x33: {  	[sflag:s18] =	ssyncset.done $0x0  }
0x34: {  	s24 =	sadd.s32 $0x15F90, s23;
	[sflag:s18] =	ssyncadd.s32 $0xFFFFD800  }
0x35: {  	[spmem:s3] =	stream.indirect.scatter.add.f32 [tilespmem:s16], [sflag:$0x4], $0x80, s24, s15, $0xb8;
	[tilespmem:$0x1D6A0] =	vst v63  }
0x36: {  	_ =	swait.ge [sflag:s19], $0x2800  }
0x37: {  	[sflag:s19] =	ssyncset.done $0x0  }
0x38: {  	s24 =	sadd.s32 $0x13920, s23;
	[sflag:s19] =	ssyncadd.s32 $0xFFFFD800  }
0x39: {  	[tilespmem:s16], [sflag:$0x1] =	stream.indirect.gather [hbm4b:s1+s15], $0x80, s24, s15, $0xb8;
	[tilespmem:$0x1D6A0] =	vst v63  }
0x3a: {  	_ =	swait.ge [sflag:s20], $0x2800  }
.Ltmp0:
0x3b: {  	[sflag:s20] =	ssyncset.done $0x0;
	(pc) =	sbr.rel @p1 .LBB2_2-.Ltmp0, $4  }
0x3c: {  	s23 =	sadd.s32 $0x15FE0, s23;
	[sflag:s20] =	ssyncadd.s32 $0xFFFFD800  }
0x3d: {  	[spmem:s3] =	stream.indirect.scatter.add.f32 [tilespmem:s17], [sflag:$0x3], $0x80, s23, s15, $0xb8;
	[tilespmem:$0x1D6A0] =	vst v63  }
0x3e: {  	_ =	swait.ge [sflag:s11], $0x2800  }
0x3f: {  	s24 =	smov.u32 s28;
	s23 =	sshra.s32 s26, $0x2;
	[sflag:s11] =	ssyncset.done $0x0  }
0x40: {  	s24 =	sadd.s32 $0x138D0, s23;
	[sflag:s11] =	ssyncadd.s32 $0xFFFFD800  }
0x41: {  	[tilespmem:s17], [sflag:$0x2] =	stream.indirect.gather [hbm4b:s1+s15], $0x80, s24, s15, $0xb8;
	[tilespmem:$0x1D6A0] =	vst v63  }
0x42: {  	_ =	swait.ge [sflag:s18], $0x2800  }
0x43: {  	[sflag:s18] =	ssyncset.done $0x0  }
0x44: {  	s29 =	sadd.s32 $0x15F90, s23;
	[sflag:s18] =	ssyncadd.s32 $0xFFFFD800  }
0x45: {  	[spmem:s3] =	stream.indirect.scatter.add.f32 [tilespmem:s16], [sflag:$0x4], $0x80, s29, s15, $0xb8;
	[tilespmem:$0x1D6A0] =	vst v63  }
0x46: {  	_ =	swait.ge [sflag:s19], $0x2800  }
0x47: {  	[sflag:s19] =	ssyncset.done $0x0  }
0x48: {  	s30 =	sadd.s32 $0x13920, s23;
	[sflag:s19] =	ssyncadd.s32 $0xFFFFD800  }
0x49: {  	[tilespmem:s16], [sflag:$0x1] =	stream.indirect.gather [hbm4b:s1+s15], $0x80, s30, s15, $0xb8;
	[tilespmem:$0x1D6A0] =	vst v63  }
0x4a: {  	_ =	swait.ge [sflag:s20], $0x2800  }
0x4b: {  	[sflag:s20] =	ssyncset.done $0x0  }
0x4c: {  	s31 =	sadd.s32 $0x15FE0, s23;
	[sflag:s20] =	ssyncadd.s32 $0xFFFFD800  }
0x4d: {  	[spmem:s3] =	stream.indirect.scatter.add.f32 [tilespmem:s17], [sflag:$0x3], $0x80, s31, s15, $0xb8;
	[tilespmem:$0x1D6A0] =	vst v63  }
0x4e: {  	_ =	swait.ge [sflag:s11], $0x2800  }
0x4f: {  	[sflag:s11] =	ssyncset.done $0x0  }
0x50: {  	[sflag:s11] =	ssyncadd.s32 $0xFFFFD800  }
0x51: {  	_ =	swait.ge [sflag:s18], $0x2800  }
0x52: {  	[sflag:s18] =	ssyncset.done $0x0  }
0x53: {  	[sflag:s18] =	ssyncadd.s32 $0xFFFFD800  }
0x54: {  	[spmem:s3] =	stream.indirect.scatter.add.f32 [tilespmem:s16], [sflag:$0x4], $0x80, s21, s15, $0xb8;
	[tilespmem:$0x1D6A0] =	vst v63  }
0x55: {  	_ =	swait.ge [sflag:s19], $0x2800  }
0x56: {  	s22 =	sadd.s32 $0x1, s22;
	[sflag:s19] =	ssyncset.done $0x0  }
0x57: {  	p1 =	sne.s32 s22, s9;
	[sflag:s19] =	ssyncadd.s32 $0xFFFFD800  }
.Ltmp1:
0x58: {  	s23 =	simm.s32 @!p0 $0x3;
	[bflag:$0x0] =	sbarrier.arrive $0xFFFF;
	(pc) =	sbr.rel @p1 .LBB2_1-.Ltmp1, $4  }
0x59: {  	[hbm:s8], [sflag:s13] =	dma.local @!p0 [spmem:s14], $0x3E80  }
0x5a: {  	_ =	swait.ge @!p0 [sflag:s23], $0x3E80  }
0x5b: {  	[sflag:s23] =	ssyncset.done @!p0 $0x0  }
0x5c: {  	[sflag:s23] =	ssyncadd.s32 @!p0 $0xFFFFC180  }
0x5d: {  	_ =	sfence.sel $0x180000  }
0x5e: {  	[bflag:$0x0] =	sbarrier.arrive $0xFFFF  }
0x5f: {  	p0 =	sne.s32 s0, $0x0;
	_ =	strace $0x90000047  }
0x60: {  	s0 =	sadd.s32 @!p0 $0x100000, s2;
	[bflag:$0x2] =	sbarrier.arrive $0xFFFF  }
0x61: {  	[sflag:s0] =	ssyncadd.tile.s32 @!p0 $0x1;
	_ =	shalt  }
.Lfunc_end2:
_tile_overlayer_lowered:
.L_overlay_start_2:
0x62: {  	(tag) =	ssettag $0x2  }
0x63: {  	s0 =	rddreg [dreg:$0x0];
	s2 =	stileid.u32  }
0x64: {  	s1 =	rddreg [dreg:$0x1];
	p0 =	sne.s32 s2, $0x0  }
0x65: {  	s3 =	rddreg [dreg:$0x2];
	[bflag:$0x3] =	sbarrier.arrive $0xFFFF;
	s2 =	simm.s32 @!p0 $0x1C03  }
0x66: {  	[timem:s3], [sflag:s2] =	dma.local @!p0 [hbm:s0], s1  }
0x67: {  	s0 =	simm.s32 @!p0 $0x3  }
0x68: {  	_ =	swait.ge @!p0 [sflag:s0], s1  }
0x69: {  	s1 =	ssub.s32 @!p0 $0x0, s1;
	[sflag:s0] =	ssyncset.done @!p0 $0x0  }
0x6a: {  	[sflag:s0] =	ssyncadd.s32 @!p0 s1  }
0x6b: {  	[bflag:$0x3] =	sbarrier.arrive $0xFFFF  }
0x6c: {  	_ =	shalt  }

</sc_bundles>
